<compile_context>
chip_gen: v7x
topology: tpu7x:2x2x1
jax: 0.10.2.dev20260603
libtpu: 0.0.44.dev20260713+nightly
codegen_flags: <defaults>
</compile_context>

<pallas_src>
import functools

import jax
import jax.numpy as jnp
from jax import lax
from jax.experimental import pallas as pl
from jax.experimental.pallas import tpu as pltpu
from jax.experimental.pallas import tpu_sc as plsc

_L = 16
_NB = 128
_CH = 16


def _gather_kernel(B, D, b_per_w, NC):
    mesh = plsc.VectorSubcoreMesh(core_axis_name="c", subcore_axis_name="s")
    n_ch = b_per_w // _CH
    n_grp = _CH // _L

    @functools.partial(
        pl.kernel,
        mesh=mesh,
        out_type=jax.ShapeDtypeStruct((D, B), jnp.float32),
        compiler_params=pltpu.CompilerParams(needs_layout_passes=False),
        scratch_types=[
            pltpu.VMEM((b_per_w,), jnp.int32),
            pltpu.VMEM((_CH, D, _NB), jnp.float32),
            pltpu.VMEM((D, b_per_w), jnp.float32),
            pltpu.SemaphoreType.DMA,
        ],
    )
    def k(idx_hbm, tab_hbm, out_hbm, idx_v, blk_v, out_v, sem):
        wid = lax.axis_index("s") * NC + lax.axis_index("c")
        base = wid * b_per_w
        pltpu.sync_copy(idx_hbm.at[pl.ds(base, b_per_w)], idx_v)
        iota = lax.iota(jnp.int32, _L)

        def ch_body(ch, _):
            off = ch * _CH
            for g in range(n_grp):
                idx16 = idx_v[pl.ds(off + g * _L, _L)]
                s16 = lax.shift_left(lax.shift_right_logical(idx16, 7), 7)
                for l in range(_L):
                    s = pl.multiple_of(s16[l], _NB)
                    pltpu.async_copy(
                        tab_hbm.at[:, pl.ds(s, _NB)],
                        blk_v.at[g * _L + l],
                        sem,
                    )
            for g in range(n_grp):
                idx16 = idx_v[pl.ds(off + g * _L, _L)]
                c16 = idx16 & (_NB - 1)
                j16 = g * _L + iota
                for l in range(_L):
                    pltpu.make_async_copy(
                        tab_hbm.at[:, pl.ds(0, _NB)],
                        blk_v.at[g * _L + l],
                        sem,
                    ).wait()
                for f in range(D):
                    val = plsc.load_gather(blk_v, [j16, iota * 0 + f, c16])
                    out_v[f, pl.ds(off + g * _L, _L)] = val
            return 0

        lax.fori_loop(0, n_ch, ch_body, 0)
        pltpu.sync_copy(out_v, out_hbm.at[:, pl.ds(base, b_per_w)])

    return k


def kernel(node_id, node_table):
    (B,) = node_id.shape
    V, D = node_table.shape
    info = plsc.get_sparse_core_info()
    NC, NS = info.num_cores, info.num_subcores
    NW = NC * NS
    b_per_w = B // NW
    idx = node_id.astype(jnp.int32)
    out_t = _gather_kernel(B, D, b_per_w, NC)(idx, node_table.T)
    return out_t.T

# --- scband reference (transcript-rebuilt; emitter-appended) ---
"""Pipeline reference for scband-learnable-embeddings-72782515798197 (READ-ONLY COPY).

The authoritative reference and input builder live on the scoring server;
editing this copy changes nothing except your own understanding.
"""

import jax, jax.numpy as jnp
import numpy as np

TOTAL_NODES = 1000000
IN_FEATS = 32
BATCH = 16384

def setup_inputs(seed: int = 0) -> dict:
    key = jax.random.key(seed)
    k_idx, k_tab = jax.random.split(key)
    node_id = jax.random.randint(k_idx, (BATCH,), 0, TOTAL_NODES, dtype=jnp.int64 if jax.config.jax_enable_x64 else jnp.int32)
    # nn.Embedding default init: N(0, 1)
    node_table = jax.random.normal(k_tab, (TOTAL_NODES, IN_FEATS), dtype=jnp.float32)
    return {"node_id": node_id, "node_table": node_table}

def reference(node_id, node_table):
    # LearnableEmbeddings.get_node_embeddings with int total_nodes:
    # emb = self.init_node_embeddings(batch['node_id'])  -> embedding gather
    emb = jnp.take(node_table, node_id, axis=0)
    return emb

if __name__ == "__main__":
    import jax
    _d = setup_inputs()
    print(jax.jit(kernel)(*tuple(_d.values())))

</pallas_src>

<mosaic_0001>
#map = affine_map<(d0, d1) -> (0)>
#map1 = affine_map<(d0, d1) -> (0, 0)>
module attributes {stable_mosaic.version = 14 : i64} {
  func.func @k(%arg0: i32, %arg1: i32, %arg2: memref<16384xi32, #tpu.memory_space<hbm>>, %arg3: memref<32x1000000xf32, #tpu.memory_space<hbm>>, %arg4: memref<32x16384xf32, #tpu.memory_space<hbm>>, %arg5: memref<512xi32, #tpu.memory_space<vmem>>, %arg6: memref<16x32x128xf32, #tpu.memory_space<vmem>>, %arg7: memref<32x512xf32, #tpu.memory_space<vmem>>, %arg8: memref<!tpu.dma_semaphore, #tpu.memory_space<semaphore_mem>>) attributes {dimension_semantics = [#tpu.dimension_semantics<core_parallel>, #tpu.dimension_semantics<subcore_parallel>], iteration_bounds = array<i64: 2, 16>, scalar_prefetch = 0 : i64, scratch_operands = 4 : i64, tpu.core_type = #tpu.core_type<sc_vector_subcore>, window_params = [{transform_indices = #map}, {transform_indices = #map1}, {transform_indices = #map1}]} {
    %mul3A = arith.constant 2 : i32
    %mul3A_0 = arith.muli %arg1, %mul3A : i32
    %add3A = arith.addi %mul3A_0, %arg0 : i32
    %mul3A_1 = arith.constant 512 : i32
    %mul3A_2 = arith.muli %add3A, %mul3A_1 : i32
    "tpu.region"() ({
      %run_scoped3A = tpu.sem_alloc : memref<!tpu.dma_semaphore, #tpu.memory_space<semaphore_mem>>
      %dma_start3A = tpu.memref_slice %arg2[%mul3A_2] : memref<16384xi32, #tpu.memory_space<hbm>> -> memref<512xi32, #tpu.memory_space<hbm>>
      %dma_start3A_9 = tpu.memref_slice %arg2[%mul3A_2] : memref<16384xi32, #tpu.memory_space<hbm>> -> memref<512xi32, #tpu.memory_space<hbm>>
      tpu.enqueue_dma source(%dma_start3A_9 : memref<512xi32, #tpu.memory_space<hbm>>) target(%arg5 : memref<512xi32, #tpu.memory_space<vmem>>) target_semaphore(%run_scoped3A : memref<!tpu.dma_semaphore, #tpu.memory_space<semaphore_mem>>)
      %dma_wait3A = tpu.memref_slice %arg2[%mul3A_2] : memref<16384xi32, #tpu.memory_space<hbm>> -> memref<512xi32, #tpu.memory_space<hbm>>
      %dma_wait3A_10 = tpu.memref_slice %arg2[%mul3A_2] : memref<16384xi32, #tpu.memory_space<hbm>> -> memref<512xi32, #tpu.memory_space<hbm>>
      tpu.wait_dma2 semaphore(%run_scoped3A : memref<!tpu.dma_semaphore, #tpu.memory_space<semaphore_mem>>) src(%dma_wait3A_10 : memref<512xi32, #tpu.memory_space<hbm>>) dst(%arg5 : memref<512xi32, #tpu.memory_space<vmem>>)
      tpu.yield
    }) : () -> ()
    %iota3A = tpu.iota {dimensions = array<i32: 0>} : vector<16xi32>
    %scan3A = arith.constant 0 : i32
    %scan3A_3 = arith.constant 0 : i32
    %scan3A_4 = arith.constant 32 : i32
    %scan3A_5 = arith.addi %scan3A_3, %scan3A_4 : i32
    %scan3A_6 = arith.constant 1 : i32
    %scan3A_7 = scf.for %scan3A_9 = %scan3A_3 to %scan3A_5 step %scan3A_6 iter_args(%scan3A_10 = %scan3A) -> (i32)  : i32 {
      %mul3A_11 = arith.constant 16 : i32
      %mul3A_12 = arith.muli %scan3A_9, %mul3A_11 : i32
      %add3A_13 = arith.constant 0 : i32
      %add3A_14 = arith.addi %mul3A_12, %add3A_13 : i32
      %get3A = arith.index_cast %add3A_14 : i32 to index
      %get3A_15 = tpu.vector_load %arg5[%get3A] {strides = array<i32>} : memref<512xi32, #tpu.memory_space<vmem>>, vector<16xi32>,
      %shift_right_logical3A = arith.constant 7 : i32
      %shift_right_logical3A_16 = vector.broadcast %shift_right_logical3A : i32 to vector<16xi32>
      %shift_right_logical3A_17 = arith.shrui %get3A_15, %shift_right_logical3A_16 : vector<16xi32>
      %shift_left3A = arith.constant 7 : i32
      %shift_left3A_18 = vector.broadcast %shift_left3A : i32 to vector<16xi32>
      %shift_left3A_19 = arith.shli %shift_right_logical3A_17, %shift_left3A_18 : vector<16xi32>
      %slice3A = vector.extract_strided_slice %shift_left3A_19 {offsets = [0], sizes = [1], strides = [1]} : vector<16xi32> to vector<1xi32>
      %squeeze3A = vector.extract %slice3A[0] : i32 from vector<1xi32>
      %multiple_of3A = tpu.assume_multiple %squeeze3A, 128 : i32
      %dma_start3A = arith.constant 0 : i32
      %dma_start3A_20 = arith.constant 0 : i32
      %dma_start3A_21 = arith.constant 0 : i32
      %dma_start3A_22 = tpu.memref_slice %arg6[%dma_start3A, %dma_start3A_20, %dma_start3A_21] : memref<16x32x128xf32, #tpu.memory_space<vmem>> -> memref<1x32x128xf32, #tpu.memory_space<vmem>>
      %dma_start3A_23 = tpu.memref_squeeze %dma_start3A_22 : memref<1x32x128xf32, #tpu.memory_space<vmem>> -> memref<32x128xf32, #tpu.memory_space<vmem>>
      %dma_start3A_24 = arith.constant 0 : i32
      %dma_start3A_25 = tpu.memref_slice %arg3[%dma_start3A_24, %multiple_of3A] : memref<32x1000000xf32, #tpu.memory_space<hbm>> -> memref<32x128xf32, #tpu.memory_space<hbm>>
      %dma_start3A_26 = arith.constant 0 : i32
      %dma_start3A_27 = arith.constant 0 : i32
      %dma_start3A_28 = tpu.memref_slice %arg6[%dma_start3A, %dma_start3A_26, %dma_start3A_27] : memref<16x32x128xf32, #tpu.memory_space<vmem>> -> memref<1x32x128xf32, #tpu.memory_space<vmem>>
      %dma_start3A_29 = tpu.memref_squeeze %dma_start3A_28 : memref<1x32x128xf32, #tpu.memory_space<vmem>> -> memref<32x128xf32, #tpu.memory_space<vmem>>
      %dma_start3A_30 = arith.constant 0 : i32
      %dma_start3A_31 = tpu.memref_slice %arg3[%dma_start3A_30, %multiple_of3A] : memref<32x1000000xf32, #tpu.memory_space<hbm>> -> memref<32x128xf32, #tpu.memory_space<hbm>>
      tpu.enqueue_dma source(%dma_start3A_31 : memref<32x128xf32, #tpu.memory_space<hbm>>) target(%dma_start3A_29 : memref<32x128xf32, #tpu.memory_space<vmem>>) target_semaphore(%arg8 : memref<!tpu.dma_semaphore, #tpu.memory_space<semaphore_mem>>)
      %slice3A_32 = vector.extract_strided_slice %shift_left3A_19 {offsets = [1], sizes = [1], strides = [1]} : vector<16xi32> to vector<1xi32>
      %squeeze3A_33 = vector.extract %slice3A_32[0] : i32 from vector<1xi32>
      %multiple_of3A_34 = tpu.assume_multiple %squeeze3A_33, 128 : i32
      %dma_start3A_35 = arith.constant 1 : i32
      %dma_start3A_36 = arith.constant 0 : i32
      %dma_start3A_37 = arith.constant 0 : i32
      %dma_start3A_38 = tpu.memref_slice %arg6[%dma_start3A_35, %dma_start3A_36, %dma_start3A_37] : memref<16x32x128xf32, #tpu.memory_space<vmem>> -> memref<1x32x128xf32, #tpu.memory_space<vmem>>
      %dma_start3A_39 = tpu.memref_squeeze %dma_start3A_38 : memref<1x32x128xf32, #tpu.memory_space<vmem>> -> memref<32x128xf32, #tpu.memory_space<vmem>>
      %dma_start3A_40 = arith.constant 0 : i32
      %dma_start3A_41 = tpu.memref_slice %arg3[%dma_start3A_40, %multiple_of3A_34] : memref<32x1000000xf32, #tpu.memory_space<hbm>> -> memref<32x128xf32, #tpu.memory_space<hbm>>
      %dma_start3A_42 = arith.constant 0 : i32
      %dma_start3A_43 = arith.constant 0 : i32
      %dma_start3A_44 = tpu.memref_slice %arg6[%dma_start3A_35, %dma_start3A_42, %dma_start3A_43] : memref<16x32x128xf32, #tpu.memory_space<vmem>> -> memref<1x32x128xf32, #tpu.memory_space<vmem>>
      %dma_start3A_45 = tpu.memref_squeeze %dma_start3A_44 : memref<1x32x128xf32, #tpu.memory_space<vmem>> -> memref<32x128xf32, #tpu.memory_space<vmem>>
      %dma_start3A_46 = arith.constant 0 : i32
      %dma_start3A_47 = tpu.memref_slice %arg3[%dma_start3A_46, %multiple_of3A_34] : memref<32x1000000xf32, #tpu.memory_space<hbm>> -> memref<32x128xf32, #tpu.memory_space<hbm>>
      tpu.enqueue_dma source(%dma_start3A_47 : memref<32x128xf32, #tpu.memory_space<hbm>>) target(%dma_start3A_45 : memref<32x128xf32, #tpu.memory_space<vmem>>) target_semaphore(%arg8 : memref<!tpu.dma_semaphore, #tpu.memory_space<semaphore_mem>>)
      %slice3A_48 = vector.extract_strided_slice %shift_left3A_19 {offsets = [2], sizes = [1], strides = [1]} : vector<16xi32> to vector<1xi32>
      %squeeze3A_49 = vector.extract %slice3A_48[0] : i32 from vector<1xi32>
      %multiple_of3A_50 = tpu.assume_multiple %squeeze3A_49, 128 : i32
      %dma_start3A_51 = arith.constant 2 : i32
      %dma_start3A_52 = arith.constant 0 : i32
      %dma_start3A_53 = arith.constant 0 : i32
      %dma_start3A_54 = tpu.memref_slice %arg6[%dma_start3A_51, %dma_start3A_52, %dma_start3A_53] : memref<16x32x128xf32, #tpu.memory_space<vmem>> -> memref<1x32x128xf32, #tpu.memory_space<vmem>>
      %dma_start3A_55 = tpu.memref_squeeze %dma_start3A_54 : memref<1x32x128xf32, #tpu.memory_space<vmem>> -> memref<32x128xf32, #tpu.memory_space<vmem>>
      %dma_start3A_56 = arith.constant 0 : i32
      %dma_start3A_57 = tpu.memref_slice %arg3[%dma_start3A_56, %multiple_of3A_50] : memref<32x1000000xf32, #tpu.memory_space<hbm>> -> memref<32x128xf32, #tpu.memory_space<hbm>>
      %dma_start3A_58 = arith.constant 0 : i32
      %dma_start3A_59 = arith.constant 0 : i32
      %dma_start3A_60 = tpu.memref_slice %arg6[%dma_start3A_51, %dma_start3A_58, %dma_start3A_59] : memref<16x32x128xf32, #tpu.memory_space<vmem>> -> memref<1x32x128xf32, #tpu.memory_space<vmem>>
      %dma_start3A_61 = tpu.memref_squeeze %dma_start3A_60 : memref<1x32x128xf32, #tpu.memory_space<vmem>> -> memref<32x128xf32, #tpu.memory_space<vmem>>
      %dma_start3A_62 = arith.constant 0 : i32
      %dma_start3A_63 = tpu.memref_slice %arg3[%dma_start3A_62, %multiple_of3A_50] : memref<32x1000000xf32, #tpu.memory_space<hbm>> -> memref<32x128xf32, #tpu.memory_space<hbm>>
      tpu.enqueue_dma source(%dma_start3A_63 : memref<32x128xf32, #tpu.memory_space<hbm>>) target(%dma_start3A_61 : memref<32x128xf32, #tpu.memory_space<vmem>>) target_semaphore(%arg8 : memref<!tpu.dma_semaphore, #tpu.memory_space<semaphore_mem>>)
      %slice3A_64 = vector.extract_strided_slice %shift_left3A_19 {offsets = [3], sizes = [1], strides = [1]} : vector<16xi32> to vector<1xi32>
      %squeeze3A_65 = vector.extract %slice3A_64[0] : i32 from vector<1xi32>
      %multiple_of3A_66 = tpu.assume_multiple %squeeze3A_65, 128 : i32
      %dma_start3A_67 = arith.constant 3 : i32
      %dma_start3A_68 = arith.constant 0 : i32
      %dma_start3A_69 = arith.constant 0 : i32
      %dma_start3A_70 = tpu.memref_slice %arg6[%dma_start3A_67, %dma_start3A_68, %dma_start3A_69] : memref<16x32x128xf32, #tpu.memory_space<vmem>> -> memref<1x32x128xf32, #tpu.memory_space<vmem>>
      %dma_start3A_71 = tpu.memref_squeeze %dma_start3A_70 : memref<1x32x128xf32, #tpu.memory_space<vmem>> -> memref<32x128xf32, #tpu.memory_space<vmem>>
      %dma_start3A_72 = arith.constant 0 : i32
      %dma_start3A_73 = tpu.memref_slice %arg3[%dma_start3A_72, %multiple_of3A_66] : memref<32x1000000xf32, #tpu.memory_space<hbm>> -> memref<32x128xf32, #tpu.memory_space<hbm>>
      %dma_start3A_74 = arith.constant 0 : i32
      %dma_start3A_75 = arith.constant 0 : i32
      %dma_start3A_76 = tpu.memref_slice %arg6[%dma_start3A_67, %dma_start3A_74, %dma_start3A_75] : memref<16x32x128xf32, #tpu.memory_space<vmem>> -> memref<1x32x128xf32, #tpu.memory_space<vmem>>
      %dma_start3A_77 = tpu.memref_squeeze %dma_start3A_76 : memref<1x32x128xf32, #tpu.memory_space<vmem>> -> memref<32x128xf32, #tpu.memory_space<vmem>>
      %dma_start3A_78 = arith.constant 0 : i32
      %dma_start3A_79 = tpu.memref_slice %arg3[%dma_start3A_78, %multiple_of3A_66] : memref<32x1000000xf32, #tpu.memory_space<hbm>> -> memref<32x128xf32, #tpu.memory_space<hbm>>
      tpu.enqueue_dma source(%dma_start3A_79 : memref<32x128xf32, #tpu.memory_space<hbm>>) target(%dma_start3A_77 : memref<32x128xf32, #tpu.memory_space<vmem>>) target_semaphore(%arg8 : memref<!tpu.dma_semaphore, #tpu.memory_space<semaphore_mem>>)
      %slice3A_80 = vector.extract_strided_slice %shift_left3A_19 {offsets = [4], sizes = [1], strides = [1]} : vector<16xi32> to vector<1xi32>
      %squeeze3A_81 = vector.extract %slice3A_80[0] : i32 from vector<1xi32>
      %multiple_of3A_82 = tpu.assume_multiple %squeeze3A_81, 128 : i32
      %dma_start3A_83 = arith.constant 4 : i32
      %dma_start3A_84 = arith.constant 0 : i32
      %dma_start3A_85 = arith.constant 0 : i32
      %dma_start3A_86 = tpu.memref_slice %arg6[%dma_start3A_83, %dma_start3A_84, %dma_start3A_85] : memref<16x32x128xf32, #tpu.memory_space<vmem>> -> memref<1x32x128xf32, #tpu.memory_space<vmem>>
      %dma_start3A_87 = tpu.memref_squeeze %dma_start3A_86 : memref<1x32x128xf32, #tpu.memory_space<vmem>> -> memref<32x128xf32, #tpu.memory_space<vmem>>
      %dma_start3A_88 = arith.constant 0 : i32
      %dma_start3A_89 = tpu.memref_slice %arg3[%dma_start3A_88, %multiple_of3A_82] : memref<32x1000000xf32, #tpu.memory_space<hbm>> -> memref<32x128xf32, #tpu.memory_space<hbm>>
      %dma_start3A_90 = arith.constant 0 : i32
      %dma_start3A_91 = arith.constant 0 : i32
      %dma_start3A_92 = tpu.memref_slice %arg6[%dma_start3A_83, %dma_start3A_90, %dma_start3A_91] : memref<16x32x128xf32, #tpu.memory_space<vmem>> -> memref<1x32x128xf32, #tpu.memory_space<vmem>>
      %dma_start3A_93 = tpu.memref_squeeze %dma_start3A_92 : memref<1x32x128xf32, #tpu.memory_space<vmem>> -> memref<32x128xf32, #tpu.memory_space<vmem>>
      %dma_start3A_94 = arith.constant 0 : i32
      %dma_start3A_95 = tpu.memref_slice %arg3[%dma_start3A_94, %multiple_of3A_82] : memref<32x1000000xf32, #tpu.memory_space<hbm>> -> memref<32x128xf32, #tpu.memory_space<hbm>>
      tpu.enqueue_dma source(%dma_start3A_95 : memref<32x128xf32, #tpu.memory_space<hbm>>) target(%dma_start3A_93 : memref<32x128xf32, #tpu.memory_space<vmem>>) target_semaphore(%arg8 : memref<!tpu.dma_semaphore, #tpu.memory_space<semaphore_mem>>)
      %slice3A_96 = vector.extract_strided_slice %shift_left3A_19 {offsets = [5], sizes = [1], strides = [1]} : vector<16xi32> to vector<1xi32>
      %squeeze3A_97 = vector.extract %slice3A_96[0] : i32 from vector<1xi32>
      %multiple_of3A_98 = tpu.assume_multiple %squeeze3A_97, 128 : i32
      %dma_start3A_99 = arith.constant 5 : i32
      %dma_start3A_100 = arith.constant 0 : i32
      %dma_start3A_101 = arith.constant 0 : i32
      %dma_start3A_102 = tpu.memref_slice %arg6[%dma_start3A_99, %dma_start3A_100, %dma_start3A_101] : memref<16x32x128xf32, #tpu.memory_space<vmem>> -> memref<1x32x128xf32, #tpu.memory_space<vmem>>
      %dma_start3A_103 = tpu.memref_squeeze %dma_start3A_102 : memref<1x32x128xf32, #tpu.memory_space<vmem>> -> memref<32x128xf32, #tpu.memory_space<vmem>>
      %dma_start3A_104 = arith.constant 0 : i32
      %dma_start3A_105 = tpu.memref_slice %arg3[%dma_start3A_104, %multiple_of3A_98] : memref<32x1000000xf32, #tpu.memory_space<hbm>> -> memref<32x128xf32, #tpu.memory_space<hbm>>
      %dma_start3A_106 = arith.constant 0 : i32
      %dma_start3A_107 = arith.constant 0 : i32
      %dma_start3A_108 = tpu.memref_slice %arg6[%dma_start3A_99, %dma_start3A_106, %dma_start3A_107] : memref<16x32x128xf32, #tpu.memory_space<vmem>> -> memref<1x32x128xf32, #tpu.memory_space<vmem>>
      %dma_start3A_109 = tpu.memref_squeeze %dma_start3A_108 : memref<1x32x128xf32, #tpu.memory_space<vmem>> -> memref<32x128xf32, #tpu.memory_space<vmem>>
      %dma_start3A_110 = arith.constant 0 : i32
      %dma_start3A_111 = tpu.memref_slice %arg3[%dma_start3A_110, %multiple_of3A_98] : memref<32x1000000xf32, #tpu.memory_space<hbm>> -> memref<32x128xf32, #tpu.memory_space<hbm>>
      tpu.enqueue_dma source(%dma_start3A_111 : memref<32x128xf32, #tpu.memory_space<hbm>>) target(%dma_start3A_109 : memref<32x128xf32, #tpu.memory_space<vmem>>) target_semaphore(%arg8 : memref<!tpu.dma_semaphore, #tpu.memory_space<semaphore_mem>>)
      %slice3A_112 = vector.extract_strided_slice %shift_left3A_19 {offsets = [6], sizes = [1], strides = [1]} : vector<16xi32> to vector<1xi32>
      %squeeze3A_113 = vector.extract %slice3A_112[0] : i32 from vector<1xi32>
      %multiple_of3A_114 = tpu.assume_multiple %squeeze3A_113, 128 : i32
      %dma_start3A_115 = arith.constant 6 : i32
      %dma_start3A_116 = arith.constant 0 : i32
      %dma_start3A_117 = arith.constant 0 : i32
      %dma_start3A_118 = tpu.memref_slice %arg6[%dma_start3A_115, %dma_start3A_116, %dma_start3A_117] : memref<16x32x128xf32, #tpu.memory_space<vmem>> -> memref<1x32x128xf32, #tpu.memory_space<vmem>>
      %dma_start3A_119 = tpu.memref_squeeze %dma_start3A_118 : memref<1x32x128xf32, #tpu.memory_space<vmem>> -> memref<32x128xf32, #tpu.memory_space<vmem>>
      %dma_start3A_120 = arith.constant 0 : i32
      %dma_start3A_121 = tpu.memref_slice %arg3[%dma_start3A_120, %multiple_of3A_114] : memref<32x1000000xf32, #tpu.memory_space<hbm>> -> memref<32x128xf32, #tpu.memory_space<hbm>>
      %dma_start3A_122 = arith.constant 0 : i32
      %dma_start3A_123 = arith.constant 0 : i32
      %dma_start3A_124 = tpu.memref_slice %arg6[%dma_start3A_115, %dma_start3A_122, %dma_start3A_123] : memref<16x32x128xf32, #tpu.memory_space<vmem>> -> memref<1x32x128xf32, #tpu.memory_space<vmem>>
      %dma_start3A_125 = tpu.memref_squeeze %dma_start3A_124 : memref<1x32x128xf32, #tpu.memory_space<vmem>> -> memref<32x128xf32, #tpu.memory_space<vmem>>
      %dma_start3A_126 = arith.constant 0 : i32
      %dma_start3A_127 = tpu.memref_slice %arg3[%dma_start3A_126, %multiple_of3A_114] : memref<32x1000000xf32, #tpu.memory_space<hbm>> -> memref<32x128xf32, #tpu.memory_space<hbm>>
      tpu.enqueue_dma source(%dma_start3A_127 : memref<32x128xf32, #tpu.memory_space<hbm>>) target(%dma_start3A_125 : memref<32x128xf32, #tpu.memory_space<vmem>>) target_semaphore(%arg8 : memref<!tpu.dma_semaphore, #tpu.memory_space<semaphore_mem>>)
      %slice3A_128 = vector.extract_strided_slice %shift_left3A_19 {offsets = [7], sizes = [1], strides = [1]} : vector<16xi32> to vector<1xi32>
      %squeeze3A_129 = vector.extract %slice3A_128[0] : i32 from vector<1xi32>
      %multiple_of3A_130 = tpu.assume_multiple %squeeze3A_129, 128 : i32
      %dma_start3A_131 = arith.constant 7 : i32
      %dma_start3A_132 = arith.constant 0 : i32
      %dma_start3A_133 = arith.constant 0 : i32
      %dma_start3A_134 = tpu.memref_slice %arg6[%dma_start3A_131, %dma_start3A_132, %dma_start3A_133] : memref<16x32x128xf32, #tpu.memory_space<vmem>> -> memref<1x32x128xf32, #tpu.memory_space<vmem>>
      %dma_start3A_135 = tpu.memref_squeeze %dma_start3A_134 : memref<1x32x128xf32, #tpu.memory_space<vmem>> -> memref<32x128xf32, #tpu.memory_space<vmem>>
      %dma_start3A_136 = arith.constant 0 : i32
      %dma_start3A_137 = tpu.memref_slice %arg3[%dma_start3A_136, %multiple_of3A_130] : memref<32x1000000xf32, #tpu.memory_space<hbm>> -> memref<32x128xf32, #tpu.memory_space<hbm>>
      %dma_start3A_138 = arith.constant 0 : i32
      %dma_start3A_139 = arith.constant 0 : i32
      %dma_start3A_140 = tpu.memref_slice %arg6[%dma_start3A_131, %dma_start3A_138, %dma_start3A_139] : memref<16x32x128xf32, #tpu.memory_space<vmem>> -> memref<1x32x128xf32, #tpu.memory_space<vmem>>
      %dma_start3A_141 = tpu.memref_squeeze %dma_start3A_140 : memref<1x32x128xf32, #tpu.memory_space<vmem>> -> memref<32x128xf32, #tpu.memory_space<vmem>>
      %dma_start3A_142 = arith.constant 0 : i32
      %dma_start3A_143 = tpu.memref_slice %arg3[%dma_start3A_142, %multiple_of3A_130] : memref<32x1000000xf32, #tpu.memory_space<hbm>> -> memref<32x128xf32, #tpu.memory_space<hbm>>
      tpu.enqueue_dma source(%dma_start3A_143 : memref<32x128xf32, #tpu.memory_space<hbm>>) target(%dma_start3A_141 : memref<32x128xf32, #tpu.memory_space<vmem>>) target_semaphore(%arg8 : memref<!tpu.dma_semaphore, #tpu.memory_space<semaphore_mem>>)
      %slice3A_144 = vector.extract_strided_slice %shift_left3A_19 {offsets = [8], sizes = [1], strides = [1]} : vector<16xi32> to vector<1xi32>
      %squeeze3A_145 = vector.extract %slice3A_144[0] : i32 from vector<1xi32>
      %multiple_of3A_146 = tpu.assume_multiple %squeeze3A_145, 128 : i32
      %dma_start3A_147 = arith.constant 8 : i32
      %dma_start3A_148 = arith.constant 0 : i32
      %dma_start3A_149 = arith.constant 0 : i32
      %dma_start3A_150 = tpu.memref_slice %arg6[%dma_start3A_147, %dma_start3A_148, %dma_start3A_149] : memref<16x32x128xf32, #tpu.memory_space<vmem>> -> memref<1x32x128xf32, #tpu.memory_space<vmem>>
      %dma_start3A_151 = tpu.memref_squeeze %dma_start3A_150 : memref<1x32x128xf32, #tpu.memory_space<vmem>> -> memref<32x128xf32, #tpu.memory_space<vmem>>
      %dma_start3A_152 = arith.constant 0 : i32
      %dma_start3A_153 = tpu.memref_slice %arg3[%dma_start3A_152, %multiple_of3A_146] : memref<32x1000000xf32, #tpu.memory_space<hbm>> -> memref<32x128xf32, #tpu.memory_space<hbm>>
      %dma_start3A_154 = arith.constant 0 : i32
      %dma_start3A_155 = arith.constant 0 : i32
      %dma_start3A_156 = tpu.memref_slice %arg6[%dma_start3A_147, %dma_start3A_154, %dma_start3A_155] : memref<16x32x128xf32, #tpu.memory_space<vmem>> -> memref<1x32x128xf32, #tpu.memory_space<vmem>>
      %dma_start3A_157 = tpu.memref_squeeze %dma_start3A_156 : memref<1x32x128xf32, #tpu.memory_space<vmem>> -> memref<32x128xf32, #tpu.memory_space<vmem>>
      %dma_start3A_158 = arith.constant 0 : i32
      %dma_start3A_159 = tpu.memref_slice %arg3[%dma_start3A_158, %multiple_of3A_146] : memref<32x1000000xf32, #tpu.memory_space<hbm>> -> memref<32x128xf32, #tpu.memory_space<hbm>>
      tpu.enqueue_dma source(%dma_start3A_159 : memref<32x128xf32, #tpu.memory_space<hbm>>) target(%dma_start3A_157 : memref<32x128xf32, #tpu.memory_space<vmem>>) target_semaphore(%arg8 : memref<!tpu.dma_semaphore, #tpu.memory_space<semaphore_mem>>)
      %slice3A_160 = vector.extract_strided_slice %shift_left3A_19 {offsets = [9], sizes = [1], strides = [1]} : vector<16xi32> to vector<1xi32>
      %squeeze3A_161 = vector.extract %slice3A_160[0] : i32 from vector<1xi32>
      %multiple_of3A_162 = tpu.assume_multiple %squeeze3A_161, 128 : i32
      %dma_start3A_163 = arith.constant 9 : i32
      %dma_start3A_164 = arith.constant 0 : i32
      %dma_start3A_165 = arith.constant 0 : i32
      %dma_start3A_166 = tpu.memref_slice %arg6[%dma_start3A_163, %dma_start3A_164, %dma_start3A_165] : memref<16x32x128xf32, #tpu.memory_space<vmem>> -> memref<1x32x128xf32, #tpu.memory_space<vmem>>
      %dma_start3A_167 = tpu.memref_squeeze %dma_start3A_166 : memref<1x32x128xf32, #tpu.memory_space<vmem>> -> memref<32x128xf32, #tpu.memory_space<vmem>>
      %dma_start3A_168 = arith.constant 0 : i32
      %dma_start3A_169 = tpu.memref_slice %arg3[%dma_start3A_168, %multiple_of3A_162] : memref<32x1000000xf32, #tpu.memory_space<hbm>> -> memref<32x128xf32, #tpu.memory_space<hbm>>
      %dma_start3A_170 = arith.constant 0 : i32
      %dma_start3A_171 = arith.constant 0 : i32
      %dma_start3A_172 = tpu.memref_slice %arg6[%dma_start3A_163, %dma_start3A_170, %dma_start3A_171] : memref<16x32x128xf32, #tpu.memory_space<vmem>> -> memref<1x32x128xf32, #tpu.memory_space<vmem>>
      %dma_start3A_173 = tpu.memref_squeeze %dma_start3A_172 : memref<1x32x128xf32, #tpu.memory_space<vmem>> -> memref<32x128xf32, #tpu.memory_space<vmem>>
      %dma_start3A_174 = arith.constant 0 : i32
      %dma_start3A_175 = tpu.memref_slice %arg3[%dma_start3A_174, %multiple_of3A_162] : memref<32x1000000xf32, #tpu.memory_space<hbm>> -> memref<32x128xf32, #tpu.memory_space<hbm>>
      tpu.enqueue_dma source(%dma_start3A_175 : memref<32x128xf32, #tpu.memory_space<hbm>>) target(%dma_start3A_173 : memref<32x128xf32, #tpu.memory_space<vmem>>) target_semaphore(%arg8 : memref<!tpu.dma_semaphore, #tpu.memory_space<semaphore_mem>>)
      %slice3A_176 = vector.extract_strided_slice %shift_left3A_19 {offsets = [10], sizes = [1], strides = [1]} : vector<16xi32> to vector<1xi32>
      %squeeze3A_177 = vector.extract %slice3A_176[0] : i32 from vector<1xi32>
      %multiple_of3A_178 = tpu.assume_multiple %squeeze3A_177, 128 : i32
      %dma_start3A_179 = arith.constant 10 : i32
      %dma_start3A_180 = arith.constant 0 : i32
      %dma_start3A_181 = arith.constant 0 : i32
      %dma_start3A_182 = tpu.memref_slice %arg6[%dma_start3A_179, %dma_start3A_180, %dma_start3A_181] : memref<16x32x128xf32, #tpu.memory_space<vmem>> -> memref<1x32x128xf32, #tpu.memory_space<vmem>>
      %dma_start3A_183 = tpu.memref_squeeze %dma_start3A_182 : memref<1x32x128xf32, #tpu.memory_space<vmem>> -> memref<32x128xf32, #tpu.memory_space<vmem>>
      %dma_start3A_184 = arith.constant 0 : i32
      %dma_start3A_185 = tpu.memref_slice %arg3[%dma_start3A_184, %multiple_of3A_178] : memref<32x1000000xf32, #tpu.memory_space<hbm>> -> memref<32x128xf32, #tpu.memory_space<hbm>>
      %dma_start3A_186 = arith.constant 0 : i32
      %dma_start3A_187 = arith.constant 0 : i32
      %dma_start3A_188 = tpu.memref_slice %arg6[%dma_start3A_179, %dma_start3A_186, %dma_start3A_187] : memref<16x32x128xf32, #tpu.memory_space<vmem>> -> memref<1x32x128xf32, #tpu.memory_space<vmem>>
      %dma_start3A_189 = tpu.memref_squeeze %dma_start3A_188 : memref<1x32x128xf32, #tpu.memory_space<vmem>> -> memref<32x128xf32, #tpu.memory_space<vmem>>
      %dma_start3A_190 = arith.constant 0 : i32
      %dma_start3A_191 = tpu.memref_slice %arg3[%dma_start3A_190, %multiple_of3A_178] : memref<32x1000000xf32, #tpu.memory_space<hbm>> -> memref<32x128xf32, #tpu.memory_space<hbm>>
      tpu.enqueue_dma source(%dma_start3A_191 : memref<32x128xf32, #tpu.memory_space<hbm>>) target(%dma_start3A_189 : memref<32x128xf32, #tpu.memory_space<vmem>>) target_semaphore(%arg8 : memref<!tpu.dma_semaphore, #tpu.memory_space<semaphore_mem>>)
      %slice3A_192 = vector.extract_strided_slice %shift_left3A_19 {offsets = [11], sizes = [1], strides = [1]} : vector<16xi32> to vector<1xi32>
      %squeeze3A_193 = vector.extract %slice3A_192[0] : i32 from vector<1xi32>
      %multiple_of3A_194 = tpu.assume_multiple %squeeze3A_193, 128 : i32
      %dma_start3A_195 = arith.constant 11 : i32
      %dma_start3A_196 = arith.constant 0 : i32
      %dma_start3A_197 = arith.constant 0 : i32
      %dma_start3A_198 = tpu.memref_slice %arg6[%dma_start3A_195, %dma_start3A_196, %dma_start3A_197] : memref<16x32x128xf32, #tpu.memory_space<vmem>> -> memref<1x32x128xf32, #tpu.memory_space<vmem>>
      %dma_start3A_199 = tpu.memref_squeeze %dma_start3A_198 : memref<1x32x128xf32, #tpu.memory_space<vmem>> -> memref<32x128xf32, #tpu.memory_space<vmem>>
      %dma_start3A_200 = arith.constant 0 : i32
      %dma_start3A_201 = tpu.memref_slice %arg3[%dma_start3A_200, %multiple_of3A_194] : memref<32x1000000xf32, #tpu.memory_space<hbm>> -> memref<32x128xf32, #tpu.memory_space<hbm>>
      %dma_start3A_202 = arith.constant 0 : i32
      %dma_start3A_203 = arith.constant 0 : i32
      %dma_start3A_204 = tpu.memref_slice %arg6[%dma_start3A_195, %dma_start3A_202, %dma_start3A_203] : memref<16x32x128xf32, #tpu.memory_space<vmem>> -> memref<1x32x128xf32, #tpu.memory_space<vmem>>
      %dma_start3A_205 = tpu.memref_squeeze %dma_start3A_204 : memref<1x32x128xf32, #tpu.memory_space<vmem>> -> memref<32x128xf32, #tpu.memory_space<vmem>>
      %dma_start3A_206 = arith.constant 0 : i32
      %dma_start3A_207 = tpu.memref_slice %arg3[%dma_start3A_206, %multiple_of3A_194] : memref<32x1000000xf32, #tpu.memory_space<hbm>> -> memref<32x128xf32, #tpu.memory_space<hbm>>
      tpu.enqueue_dma source(%dma_start3A_207 : memref<32x128xf32, #tpu.memory_space<hbm>>) target(%dma_start3A_205 : memref<32x128xf32, #tpu.memory_space<vmem>>) target_semaphore(%arg8 : memref<!tpu.dma_semaphore, #tpu.memory_space<semaphore_mem>>)
      %slice3A_208 = vector.extract_strided_slice %shift_left3A_19 {offsets = [12], sizes = [1], strides = [1]} : vector<16xi32> to vector<1xi32>
      %squeeze3A_209 = vector.extract %slice3A_208[0] : i32 from vector<1xi32>
      %multiple_of3A_210 = tpu.assume_multiple %squeeze3A_209, 128 : i32
      %dma_start3A_211 = arith.constant 12 : i32
      %dma_start3A_212 = arith.constant 0 : i32
      %dma_start3A_213 = arith.constant 0 : i32
      %dma_start3A_214 = tpu.memref_slice %arg6[%dma_start3A_211, %dma_start3A_212, %dma_start3A_213] : memref<16x32x128xf32, #tpu.memory_space<vmem>> -> memref<1x32x128xf32, #tpu.memory_space<vmem>>
      %dma_start3A_215 = tpu.memref_squeeze %dma_start3A_214 : memref<1x32x128xf32, #tpu.memory_space<vmem>> -> memref<32x128xf32, #tpu.memory_space<vmem>>
      %dma_start3A_216 = arith.constant 0 : i32
      %dma_start3A_217 = tpu.memref_slice %arg3[%dma_start3A_216, %multiple_of3A_210] : memref<32x1000000xf32, #tpu.memory_space<hbm>> -> memref<32x128xf32, #tpu.memory_space<hbm>>
      %dma_start3A_218 = arith.constant 0 : i32
      %dma_start3A_219 = arith.constant 0 : i32
      %dma_start3A_220 = tpu.memref_slice %arg6[%dma_start3A_211, %dma_start3A_218, %dma_start3A_219] : memref<16x32x128xf32, #tpu.memory_space<vmem>> -> memref<1x32x128xf32, #tpu.memory_space<vmem>>
      %dma_start3A_221 = tpu.memref_squeeze %dma_start3A_220 : memref<1x32x128xf32, #tpu.memory_space<vmem>> -> memref<32x128xf32, #tpu.memory_space<vmem>>
      %dma_start3A_222 = arith.constant 0 : i32
      %dma_start3A_223 = tpu.memref_slice %arg3[%dma_start3A_222, %multiple_of3A_210] : memref<32x1000000xf32, #tpu.memory_space<hbm>> -> memref<32x128xf32, #tpu.memory_space<hbm>>
      tpu.enqueue_dma source(%dma_start3A_223 : memref<32x128xf32, #tpu.memory_space<hbm>>) target(%dma_start3A_221 : memref<32x128xf32, #tpu.memory_space<vmem>>) target_semaphore(%arg8 : memref<!tpu.dma_semaphore, #tpu.memory_space<semaphore_mem>>)
      %slice3A_224 = vector.extract_strided_slice %shift_left3A_19 {offsets = [13], sizes = [1], strides = [1]} : vector<16xi32> to vector<1xi32>
      %squeeze3A_225 = vector.extract %slice3A_224[0] : i32 from vector<1xi32>
      %multiple_of3A_226 = tpu.assume_multiple %squeeze3A_225, 128 : i32
      %dma_start3A_227 = arith.constant 13 : i32
      %dma_start3A_228 = arith.constant 0 : i32
      %dma_start3A_229 = arith.constant 0 : i32
      %dma_start3A_230 = tpu.memref_slice %arg6[%dma_start3A_227, %dma_start3A_228, %dma_start3A_229] : memref<16x32x128xf32, #tpu.memory_space<vmem>> -> memref<1x32x128xf32, #tpu.memory_space<vmem>>
      %dma_start3A_231 = tpu.memref_squeeze %dma_start3A_230 : memref<1x32x128xf32, #tpu.memory_space<vmem>> -> memref<32x128xf32, #tpu.memory_space<vmem>>
      %dma_start3A_232 = arith.constant 0 : i32
      %dma_start3A_233 = tpu.memref_slice %arg3[%dma_start3A_232, %multiple_of3A_226] : memref<32x1000000xf32, #tpu.memory_space<hbm>> -> memref<32x128xf32, #tpu.memory_space<hbm>>
      %dma_start3A_234 = arith.constant 0 : i32
      %dma_start3A_235 = arith.constant 0 : i32
      %dma_start3A_236 = tpu.memref_slice %arg6[%dma_start3A_227, %dma_start3A_234, %dma_start3A_235] : memref<16x32x128xf32, #tpu.memory_space<vmem>> -> memref<1x32x128xf32, #tpu.memory_space<vmem>>
      %dma_start3A_237 = tpu.memref_squeeze %dma_start3A_236 : memref<1x32x128xf32, #tpu.memory_space<vmem>> -> memref<32x128xf32, #tpu.memory_space<vmem>>
      %dma_start3A_238 = arith.constant 0 : i32
      %dma_start3A_239 = tpu.memref_slice %arg3[%dma_start3A_238, %multiple_of3A_226] : memref<32x1000000xf32, #tpu.memory_space<hbm>> -> memref<32x128xf32, #tpu.memory_space<hbm>>
      tpu.enqueue_dma source(%dma_start3A_239 : memref<32x128xf32, #tpu.memory_space<hbm>>) target(%dma_start3A_237 : memref<32x128xf32, #tpu.memory_space<vmem>>) target_semaphore(%arg8 : memref<!tpu.dma_semaphore, #tpu.memory_space<semaphore_mem>>)
      %slice3A_240 = vector.extract_strided_slice %shift_left3A_19 {offsets = [14], sizes = [1], strides = [1]} : vector<16xi32> to vector<1xi32>
      %squeeze3A_241 = vector.extract %slice3A_240[0] : i32 from vector<1xi32>
      %multiple_of3A_242 = tpu.assume_multiple %squeeze3A_241, 128 : i32
      %dma_start3A_243 = arith.constant 14 : i32
      %dma_start3A_244 = arith.constant 0 : i32
      %dma_start3A_245 = arith.constant 0 : i32
      %dma_start3A_246 = tpu.memref_slice %arg6[%dma_start3A_243, %dma_start3A_244, %dma_start3A_245] : memref<16x32x128xf32, #tpu.memory_space<vmem>> -> memref<1x32x128xf32, #tpu.memory_space<vmem>>
      %dma_start3A_247 = tpu.memref_squeeze %dma_start3A_246 : memref<1x32x128xf32, #tpu.memory_space<vmem>> -> memref<32x128xf32, #tpu.memory_space<vmem>>
      %dma_start3A_248 = arith.constant 0 : i32
      %dma_start3A_249 = tpu.memref_slice %arg3[%dma_start3A_248, %multiple_of3A_242] : memref<32x1000000xf32, #tpu.memory_space<hbm>> -> memref<32x128xf32, #tpu.memory_space<hbm>>
      %dma_start3A_250 = arith.constant 0 : i32
      %dma_start3A_251 = arith.constant 0 : i32
      %dma_start3A_252 = tpu.memref_slice %arg6[%dma_start3A_243, %dma_start3A_250, %dma_start3A_251] : memref<16x32x128xf32, #tpu.memory_space<vmem>> -> memref<1x32x128xf32, #tpu.memory_space<vmem>>
      %dma_start3A_253 = tpu.memref_squeeze %dma_start3A_252 : memref<1x32x128xf32, #tpu.memory_space<vmem>> -> memref<32x128xf32, #tpu.memory_space<vmem>>
      %dma_start3A_254 = arith.constant 0 : i32
      %dma_start3A_255 = tpu.memref_slice %arg3[%dma_start3A_254, %multiple_of3A_242] : memref<32x1000000xf32, #tpu.memory_space<hbm>> -> memref<32x128xf32, #tpu.memory_space<hbm>>
      tpu.enqueue_dma source(%dma_start3A_255 : memref<32x128xf32, #tpu.memory_space<hbm>>) target(%dma_start3A_253 : memref<32x128xf32, #tpu.memory_space<vmem>>) target_semaphore(%arg8 : memref<!tpu.dma_semaphore, #tpu.memory_space<semaphore_mem>>)
      %slice3A_256 = vector.extract_strided_slice %shift_left3A_19 {offsets = [15], sizes = [1], strides = [1]} : vector<16xi32> to vector<1xi32>
      %squeeze3A_257 = vector.extract %slice3A_256[0] : i32 from vector<1xi32>
      %multiple_of3A_258 = tpu.assume_multiple %squeeze3A_257, 128 : i32
      %dma_start3A_259 = arith.constant 15 : i32
      %dma_start3A_260 = arith.constant 0 : i32
      %dma_start3A_261 = arith.constant 0 : i32
      %dma_start3A_262 = tpu.memref_slice %arg6[%dma_start3A_259, %dma_start3A_260, %dma_start3A_261] : memref<16x32x128xf32, #tpu.memory_space<vmem>> -> memref<1x32x128xf32, #tpu.memory_space<vmem>>
      %dma_start3A_263 = tpu.memref_squeeze %dma_start3A_262 : memref<1x32x128xf32, #tpu.memory_space<vmem>> -> memref<32x128xf32, #tpu.memory_space<vmem>>
      %dma_start3A_264 = arith.constant 0 : i32
      %dma_start3A_265 = tpu.memref_slice %arg3[%dma_start3A_264, %multiple_of3A_258] : memref<32x1000000xf32, #tpu.memory_space<hbm>> -> memref<32x128xf32, #tpu.memory_space<hbm>>
      %dma_start3A_266 = arith.constant 0 : i32
      %dma_start3A_267 = arith.constant 0 : i32
      %dma_start3A_268 = tpu.memref_slice %arg6[%dma_start3A_259, %dma_start3A_266, %dma_start3A_267] : memref<16x32x128xf32, #tpu.memory_space<vmem>> -> memref<1x32x128xf32, #tpu.memory_space<vmem>>
      %dma_start3A_269 = tpu.memref_squeeze %dma_start3A_268 : memref<1x32x128xf32, #tpu.memory_space<vmem>> -> memref<32x128xf32, #tpu.memory_space<vmem>>
      %dma_start3A_270 = arith.constant 0 : i32
      %dma_start3A_271 = tpu.memref_slice %arg3[%dma_start3A_270, %multiple_of3A_258] : memref<32x1000000xf32, #tpu.memory_space<hbm>> -> memref<32x128xf32, #tpu.memory_space<hbm>>
      tpu.enqueue_dma source(%dma_start3A_271 : memref<32x128xf32, #tpu.memory_space<hbm>>) target(%dma_start3A_269 : memref<32x128xf32, #tpu.memory_space<vmem>>) target_semaphore(%arg8 : memref<!tpu.dma_semaphore, #tpu.memory_space<semaphore_mem>>)
      %add3A_272 = arith.constant 0 : i32
      %add3A_273 = arith.addi %mul3A_12, %add3A_272 : i32
      %get3A_274 = arith.index_cast %add3A_273 : i32 to index
      %get3A_275 = tpu.vector_load %arg5[%get3A_274] {strides = array<i32>} : memref<512xi32, #tpu.memory_space<vmem>>, vector<16xi32>,
      %and3A = arith.constant 127 : i32
      %and3A_276 = vector.broadcast %and3A : i32 to vector<16xi32>
      %and3A_277 = arith.andi %get3A_275, %and3A_276 : vector<16xi32>
      %add3A_278 = arith.constant 0 : i32
      %add3A_279 = vector.broadcast %add3A_278 : i32 to vector<16xi32>
      %add3A_280 = arith.addi %add3A_279, %iota3A : vector<16xi32>
      %dma_wait3A = arith.constant 0 : i32
      %dma_wait3A_281 = arith.constant 0 : i32
      %dma_wait3A_282 = arith.constant 0 : i32
      %dma_wait3A_283 = tpu.memref_slice %arg6[%dma_wait3A, %dma_wait3A_281, %dma_wait3A_282] : memref<16x32x128xf32, #tpu.memory_space<vmem>> -> memref<1x32x128xf32, #tpu.memory_space<vmem>>
      %dma_wait3A_284 = tpu.memref_squeeze %dma_wait3A_283 : memref<1x32x128xf32, #tpu.memory_space<vmem>> -> memref<32x128xf32, #tpu.memory_space<vmem>>
      %dma_wait3A_285 = arith.constant 0 : i32
      %dma_wait3A_286 = arith.constant 0 : i32
      %dma_wait3A_287 = tpu.memref_slice %arg3[%dma_wait3A_285, %dma_wait3A_286] : memref<32x1000000xf32, #tpu.memory_space<hbm>> -> memref<32x128xf32, #tpu.memory_space<hbm>>
      %dma_wait3A_288 = arith.constant 0 : i32
      %dma_wait3A_289 = arith.constant 0 : i32
      %dma_wait3A_290 = tpu.memref_slice %arg6[%dma_wait3A, %dma_wait3A_288, %dma_wait3A_289] : memref<16x32x128xf32, #tpu.memory_space<vmem>> -> memref<1x32x128xf32, #tpu.memory_space<vmem>>
      %dma_wait3A_291 = tpu.memref_squeeze %dma_wait3A_290 : memref<1x32x128xf32, #tpu.memory_space<vmem>> -> memref<32x128xf32, #tpu.memory_space<vmem>>
      %dma_wait3A_292 = arith.constant 0 : i32
      %dma_wait3A_293 = arith.constant 0 : i32
      %dma_wait3A_294 = tpu.memref_slice %arg3[%dma_wait3A_292, %dma_wait3A_293] : memref<32x1000000xf32, #tpu.memory_space<hbm>> -> memref<32x128xf32, #tpu.memory_space<hbm>>
      tpu.wait_dma2 semaphore(%arg8 : memref<!tpu.dma_semaphore, #tpu.memory_space<semaphore_mem>>) src(%dma_wait3A_294 : memref<32x128xf32, #tpu.memory_space<hbm>>) dst(%dma_wait3A_291 : memref<32x128xf32, #tpu.memory_space<vmem>>)
      %dma_wait3A_295 = arith.constant 1 : i32
      %dma_wait3A_296 = arith.constant 0 : i32
      %dma_wait3A_297 = arith.constant 0 : i32
      %dma_wait3A_298 = tpu.memref_slice %arg6[%dma_wait3A_295, %dma_wait3A_296, %dma_wait3A_297] : memref<16x32x128xf32, #tpu.memory_space<vmem>> -> memref<1x32x128xf32, #tpu.memory_space<vmem>>
      %dma_wait3A_299 = tpu.memref_squeeze %dma_wait3A_298 : memref<1x32x128xf32, #tpu.memory_space<vmem>> -> memref<32x128xf32, #tpu.memory_space<vmem>>
      %dma_wait3A_300 = arith.constant 0 : i32
      %dma_wait3A_301 = arith.constant 0 : i32
      %dma_wait3A_302 = tpu.memref_slice %arg3[%dma_wait3A_300, %dma_wait3A_301] : memref<32x1000000xf32, #tpu.memory_space<hbm>> -> memref<32x128xf32, #tpu.memory_space<hbm>>
      %dma_wait3A_303 = arith.constant 0 : i32
      %dma_wait3A_304 = arith.constant 0 : i32
      %dma_wait3A_305 = tpu.memref_slice %arg6[%dma_wait3A_295, %dma_wait3A_303, %dma_wait3A_304] : memref<16x32x128xf32, #tpu.memory_space<vmem>> -> memref<1x32x128xf32, #tpu.memory_space<vmem>>
      %dma_wait3A_306 = tpu.memref_squeeze %dma_wait3A_305 : memref<1x32x128xf32, #tpu.memory_space<vmem>> -> memref<32x128xf32, #tpu.memory_space<vmem>>
      %dma_wait3A_307 = arith.constant 0 : i32
      %dma_wait3A_308 = arith.constant 0 : i32
      %dma_wait3A_309 = tpu.memref_slice %arg3[%dma_wait3A_307, %dma_wait3A_308] : memref<32x1000000xf32, #tpu.memory_space<hbm>> -> memref<32x128xf32, #tpu.memory_space<hbm>>
      tpu.wait_dma2 semaphore(%arg8 : memref<!tpu.dma_semaphore, #tpu.memory_space<semaphore_mem>>) src(%dma_wait3A_309 : memref<32x128xf32, #tpu.memory_space<hbm>>) dst(%dma_wait3A_306 : memref<32x128xf32, #tpu.memory_space<vmem>>)
      %dma_wait3A_310 = arith.constant 2 : i32
      %dma_wait3A_311 = arith.constant 0 : i32
      %dma_wait3A_312 = arith.constant 0 : i32
      %dma_wait3A_313 = tpu.memref_slice %arg6[%dma_wait3A_310, %dma_wait3A_311, %dma_wait3A_312] : memref<16x32x128xf32, #tpu.memory_space<vmem>> -> memref<1x32x128xf32, #tpu.memory_space<vmem>>
      %dma_wait3A_314 = tpu.memref_squeeze %dma_wait3A_313 : memref<1x32x128xf32, #tpu.memory_space<vmem>> -> memref<32x128xf32, #tpu.memory_space<vmem>>
      %dma_wait3A_315 = arith.constant 0 : i32
      %dma_wait3A_316 = arith.constant 0 : i32
      %dma_wait3A_317 = tpu.memref_slice %arg3[%dma_wait3A_315, %dma_wait3A_316] : memref<32x1000000xf32, #tpu.memory_space<hbm>> -> memref<32x128xf32, #tpu.memory_space<hbm>>
      %dma_wait3A_318 = arith.constant 0 : i32
      %dma_wait3A_319 = arith.constant 0 : i32
      %dma_wait3A_320 = tpu.memref_slice %arg6[%dma_wait3A_310, %dma_wait3A_318, %dma_wait3A_319] : memref<16x32x128xf32, #tpu.memory_space<vmem>> -> memref<1x32x128xf32, #tpu.memory_space<vmem>>
      %dma_wait3A_321 = tpu.memref_squeeze %dma_wait3A_320 : memref<1x32x128xf32, #tpu.memory_space<vmem>> -> memref<32x128xf32, #tpu.memory_space<vmem>>
      %dma_wait3A_322 = arith.constant 0 : i32
      %dma_wait3A_323 = arith.constant 0 : i32
      %dma_wait3A_324 = tpu.memref_slice %arg3[%dma_wait3A_322, %dma_wait3A_323] : memref<32x1000000xf32, #tpu.memory_space<hbm>> -> memref<32x128xf32, #tpu.memory_space<hbm>>
      tpu.wait_dma2 semaphore(%arg8 : memref<!tpu.dma_semaphore, #tpu.memory_space<semaphore_mem>>) src(%dma_wait3A_324 : memref<32x128xf32, #tpu.memory_space<hbm>>) dst(%dma_wait3A_321 : memref<32x128xf32, #tpu.memory_space<vmem>>)
      %dma_wait3A_325 = arith.constant 3 : i32
      %dma_wait3A_326 = arith.constant 0 : i32
      %dma_wait3A_327 = arith.constant 0 : i32
      %dma_wait3A_328 = tpu.memref_slice %arg6[%dma_wait3A_325, %dma_wait3A_326, %dma_wait3A_327] : memref<16x32x128xf32, #tpu.memory_space<vmem>> -> memref<1x32x128xf32, #tpu.memory_space<vmem>>
      %dma_wait3A_329 = tpu.memref_squeeze %dma_wait3A_328 : memref<1x32x128xf32, #tpu.memory_space<vmem>> -> memref<32x128xf32, #tpu.memory_space<vmem>>
      %dma_wait3A_330 = arith.constant 0 : i32
      %dma_wait3A_331 = arith.constant 0 : i32
      %dma_wait3A_332 = tpu.memref_slice %arg3[%dma_wait3A_330, %dma_wait3A_331] : memref<32x1000000xf32, #tpu.memory_space<hbm>> -> memref<32x128xf32, #tpu.memory_space<hbm>>
      %dma_wait3A_333 = arith.constant 0 : i32
      %dma_wait3A_334 = arith.constant 0 : i32
      %dma_wait3A_335 = tpu.memref_slice %arg6[%dma_wait3A_325, %dma_wait3A_333, %dma_wait3A_334] : memref<16x32x128xf32, #tpu.memory_space<vmem>> -> memref<1x32x128xf32, #tpu.memory_space<vmem>>
      %dma_wait3A_336 = tpu.memref_squeeze %dma_wait3A_335 : memref<1x32x128xf32, #tpu.memory_space<vmem>> -> memref<32x128xf32, #tpu.memory_space<vmem>>
      %dma_wait3A_337 = arith.constant 0 : i32
      %dma_wait3A_338 = arith.constant 0 : i32
      %dma_wait3A_339 = tpu.memref_slice %arg3[%dma_wait3A_337, %dma_wait3A_338] : memref<32x1000000xf32, #tpu.memory_space<hbm>> -> memref<32x128xf32, #tpu.memory_space<hbm>>
      tpu.wait_dma2 semaphore(%arg8 : memref<!tpu.dma_semaphore, #tpu.memory_space<semaphore_mem>>) src(%dma_wait3A_339 : memref<32x128xf32, #tpu.memory_space<hbm>>) dst(%dma_wait3A_336 : memref<32x128xf32, #tpu.memory_space<vmem>>)
      %dma_wait3A_340 = arith.constant 4 : i32
      %dma_wait3A_341 = arith.constant 0 : i32
      %dma_wait3A_342 = arith.constant 0 : i32
      %dma_wait3A_343 = tpu.memref_slice %arg6[%dma_wait3A_340, %dma_wait3A_341, %dma_wait3A_342] : memref<16x32x128xf32, #tpu.memory_space<vmem>> -> memref<1x32x128xf32, #tpu.memory_space<vmem>>
      %dma_wait3A_344 = tpu.memref_squeeze %dma_wait3A_343 : memref<1x32x128xf32, #tpu.memory_space<vmem>> -> memref<32x128xf32, #tpu.memory_space<vmem>>
      %dma_wait3A_345 = arith.constant 0 : i32
      %dma_wait3A_346 = arith.constant 0 : i32
      %dma_wait3A_347 = tpu.memref_slice %arg3[%dma_wait3A_345, %dma_wait3A_346] : memref<32x1000000xf32, #tpu.memory_space<hbm>> -> memref<32x128xf32, #tpu.memory_space<hbm>>
      %dma_wait3A_348 = arith.constant 0 : i32
      %dma_wait3A_349 = arith.constant 0 : i32
      %dma_wait3A_350 = tpu.memref_slice %arg6[%dma_wait3A_340, %dma_wait3A_348, %dma_wait3A_349] : memref<16x32x128xf32, #tpu.memory_space<vmem>> -> memref<1x32x128xf32, #tpu.memory_space<vmem>>
      %dma_wait3A_351 = tpu.memref_squeeze %dma_wait3A_350 : memref<1x32x128xf32, #tpu.memory_space<vmem>> -> memref<32x128xf32, #tpu.memory_space<vmem>>
      %dma_wait3A_352 = arith.constant 0 : i32
      %dma_wait3A_353 = arith.constant 0 : i32
      %dma_wait3A_354 = tpu.memref_slice %arg3[%dma_wait3A_352, %dma_wait3A_353] : memref<32x1000000xf32, #tpu.memory_space<hbm>> -> memref<32x128xf32, #tpu.memory_space<hbm>>
      tpu.wait_dma2 semaphore(%arg8 : memref<!tpu.dma_semaphore, #tpu.memory_space<semaphore_mem>>) src(%dma_wait3A_354 : memref<32x128xf32, #tpu.memory_space<hbm>>) dst(%dma_wait3A_351 : memref<32x128xf32, #tpu.memory_space<vmem>>)
      %dma_wait3A_355 = arith.constant 5 : i32
      %dma_wait3A_356 = arith.constant 0 : i32
      %dma_wait3A_357 = arith.constant 0 : i32
      %dma_wait3A_358 = tpu.memref_slice %arg6[%dma_wait3A_355, %dma_wait3A_356, %dma_wait3A_357] : memref<16x32x128xf32, #tpu.memory_space<vmem>> -> memref<1x32x128xf32, #tpu.memory_space<vmem>>
      %dma_wait3A_359 = tpu.memref_squeeze %dma_wait3A_358 : memref<1x32x128xf32, #tpu.memory_space<vmem>> -> memref<32x128xf32, #tpu.memory_space<vmem>>
      %dma_wait3A_360 = arith.constant 0 : i32
      %dma_wait3A_361 = arith.constant 0 : i32
      %dma_wait3A_362 = tpu.memref_slice %arg3[%dma_wait3A_360, %dma_wait3A_361] : memref<32x1000000xf32, #tpu.memory_space<hbm>> -> memref<32x128xf32, #tpu.memory_space<hbm>>
      %dma_wait3A_363 = arith.constant 0 : i32
      %dma_wait3A_364 = arith.constant 0 : i32
      %dma_wait3A_365 = tpu.memref_slice %arg6[%dma_wait3A_355, %dma_wait3A_363, %dma_wait3A_364] : memref<16x32x128xf32, #tpu.memory_space<vmem>> -> memref<1x32x128xf32, #tpu.memory_space<vmem>>
      %dma_wait3A_366 = tpu.memref_squeeze %dma_wait3A_365 : memref<1x32x128xf32, #tpu.memory_space<vmem>> -> memref<32x128xf32, #tpu.memory_space<vmem>>
      %dma_wait3A_367 = arith.constant 0 : i32
      %dma_wait3A_368 = arith.constant 0 : i32
      %dma_wait3A_369 = tpu.memref_slice %arg3[%dma_wait3A_367, %dma_wait3A_368] : memref<32x1000000xf32, #tpu.memory_space<hbm>> -> memref<32x128xf32, #tpu.memory_space<hbm>>
      tpu.wait_dma2 semaphore(%arg8 : memref<!tpu.dma_semaphore, #tpu.memory_space<semaphore_mem>>) src(%dma_wait3A_369 : memref<32x128xf32, #tpu.memory_space<hbm>>) dst(%dma_wait3A_366 : memref<32x128xf32, #tpu.memory_space<vmem>>)
      %dma_wait3A_370 = arith.constant 6 : i32
      %dma_wait3A_371 = arith.constant 0 : i32
      %dma_wait3A_372 = arith.constant 0 : i32
      %dma_wait3A_373 = tpu.memref_slice %arg6[%dma_wait3A_370, %dma_wait3A_371, %dma_wait3A_372] : memref<16x32x128xf32, #tpu.memory_space<vmem>> -> memref<1x32x128xf32, #tpu.memory_space<vmem>>
      %dma_wait3A_374 = tpu.memref_squeeze %dma_wait3A_373 : memref<1x32x128xf32, #tpu.memory_space<vmem>> -> memref<32x128xf32, #tpu.memory_space<vmem>>
      %dma_wait3A_375 = arith.constant 0 : i32
      %dma_wait3A_376 = arith.constant 0 : i32
      %dma_wait3A_377 = tpu.memref_slice %arg3[%dma_wait3A_375, %dma_wait3A_376] : memref<32x1000000xf32, #tpu.memory_space<hbm>> -> memref<32x128xf32, #tpu.memory_space<hbm>>
      %dma_wait3A_378 = arith.constant 0 : i32
      %dma_wait3A_379 = arith.constant 0 : i32
      %dma_wait3A_380 = tpu.memref_slice %arg6[%dma_wait3A_370, %dma_wait3A_378, %dma_wait3A_379] : memref<16x32x128xf32, #tpu.memory_space<vmem>> -> memref<1x32x128xf32, #tpu.memory_space<vmem>>
      %dma_wait3A_381 = tpu.memref_squeeze %dma_wait3A_380 : memref<1x32x128xf32, #tpu.memory_space<vmem>> -> memref<32x128xf32, #tpu.memory_space<vmem>>
      %dma_wait3A_382 = arith.constant 0 : i32
      %dma_wait3A_383 = arith.constant 0 : i32
      %dma_wait3A_384 = tpu.memref_slice %arg3[%dma_wait3A_382, %dma_wait3A_383] : memref<32x1000000xf32, #tpu.memory_space<hbm>> -> memref<32x128xf32, #tpu.memory_space<hbm>>
      tpu.wait_dma2 semaphore(%arg8 : memref<!tpu.dma_semaphore, #tpu.memory_space<semaphore_mem>>) src(%dma_wait3A_384 : memref<32x128xf32, #tpu.memory_space<hbm>>) dst(%dma_wait3A_381 : memref<32x128xf32, #tpu.memory_space<vmem>>)
      %dma_wait3A_385 = arith.constant 7 : i32
      %dma_wait3A_386 = arith.constant 0 : i32
      %dma_wait3A_387 = arith.constant 0 : i32
      %dma_wait3A_388 = tpu.memref_slice %arg6[%dma_wait3A_385, %dma_wait3A_386, %dma_wait3A_387] : memref<16x32x128xf32, #tpu.memory_space<vmem>> -> memref<1x32x128xf32, #tpu.memory_space<vmem>>
      %dma_wait3A_389 = tpu.memref_squeeze %dma_wait3A_388 : memref<1x32x128xf32, #tpu.memory_space<vmem>> -> memref<32x128xf32, #tpu.memory_space<vmem>>
      %dma_wait3A_390 = arith.constant 0 : i32
      %dma_wait3A_391 = arith.constant 0 : i32
      %dma_wait3A_392 = tpu.memref_slice %arg3[%dma_wait3A_390, %dma_wait3A_391] : memref<32x1000000xf32, #tpu.memory_space<hbm>> -> memref<32x128xf32, #tpu.memory_space<hbm>>
      %dma_wait3A_393 = arith.constant 0 : i32
      %dma_wait3A_394 = arith.constant 0 : i32
      %dma_wait3A_395 = tpu.memref_slice %arg6[%dma_wait3A_385, %dma_wait3A_393, %dma_wait3A_394] : memref<16x32x128xf32, #tpu.memory_space<vmem>> -> memref<1x32x128xf32, #tpu.memory_space<vmem>>
      %dma_wait3A_396 = tpu.memref_squeeze %dma_wait3A_395 : memref<1x32x128xf32, #tpu.memory_space<vmem>> -> memref<32x128xf32, #tpu.memory_space<vmem>>
      %dma_wait3A_397 = arith.constant 0 : i32
      %dma_wait3A_398 = arith.constant 0 : i32
      %dma_wait3A_399 = tpu.memref_slice %arg3[%dma_wait3A_397, %dma_wait3A_398] : memref<32x1000000xf32, #tpu.memory_space<hbm>> -> memref<32x128xf32, #tpu.memory_space<hbm>>
      tpu.wait_dma2 semaphore(%arg8 : memref<!tpu.dma_semaphore, #tpu.memory_space<semaphore_mem>>) src(%dma_wait3A_399 : memref<32x128xf32, #tpu.memory_space<hbm>>) dst(%dma_wait3A_396 : memref<32x128xf32, #tpu.memory_space<vmem>>)
      %dma_wait3A_400 = arith.constant 8 : i32
      %dma_wait3A_401 = arith.constant 0 : i32
      %dma_wait3A_402 = arith.constant 0 : i32
      %dma_wait3A_403 = tpu.memref_slice %arg6[%dma_wait3A_400, %dma_wait3A_401, %dma_wait3A_402] : memref<16x32x128xf32, #tpu.memory_space<vmem>> -> memref<1x32x128xf32, #tpu.memory_space<vmem>>
      %dma_wait3A_404 = tpu.memref_squeeze %dma_wait3A_403 : memref<1x32x128xf32, #tpu.memory_space<vmem>> -> memref<32x128xf32, #tpu.memory_space<vmem>>
      %dma_wait3A_405 = arith.constant 0 : i32
      %dma_wait3A_406 = arith.constant 0 : i32
      %dma_wait3A_407 = tpu.memref_slice %arg3[%dma_wait3A_405, %dma_wait3A_406] : memref<32x1000000xf32, #tpu.memory_space<hbm>> -> memref<32x128xf32, #tpu.memory_space<hbm>>
      %dma_wait3A_408 = arith.constant 0 : i32
      %dma_wait3A_409 = arith.constant 0 : i32
      %dma_wait3A_410 = tpu.memref_slice %arg6[%dma_wait3A_400, %dma_wait3A_408, %dma_wait3A_409] : memref<16x32x128xf32, #tpu.memory_space<vmem>> -> memref<1x32x128xf32, #tpu.memory_space<vmem>>
      %dma_wait3A_411 = tpu.memref_squeeze %dma_wait3A_410 : memref<1x32x128xf32, #tpu.memory_space<vmem>> -> memref<32x128xf32, #tpu.memory_space<vmem>>
      %dma_wait3A_412 = arith.constant 0 : i32
      %dma_wait3A_413 = arith.constant 0 : i32
      %dma_wait3A_414 = tpu.memref_slice %arg3[%dma_wait3A_412, %dma_wait3A_413] : memref<32x1000000xf32, #tpu.memory_space<hbm>> -> memref<32x128xf32, #tpu.memory_space<hbm>>
      tpu.wait_dma2 semaphore(%arg8 : memref<!tpu.dma_semaphore, #tpu.memory_space<semaphore_mem>>) src(%dma_wait3A_414 : memref<32x128xf32, #tpu.memory_space<hbm>>) dst(%dma_wait3A_411 : memref<32x128xf32, #tpu.memory_space<vmem>>)
      %dma_wait3A_415 = arith.constant 9 : i32
      %dma_wait3A_416 = arith.constant 0 : i32
      %dma_wait3A_417 = arith.constant 0 : i32
      %dma_wait3A_418 = tpu.memref_slice %arg6[%dma_wait3A_415, %dma_wait3A_416, %dma_wait3A_417] : memref<16x32x128xf32, #tpu.memory_space<vmem>> -> memref<1x32x128xf32, #tpu.memory_space<vmem>>
      %dma_wait3A_419 = tpu.memref_squeeze %dma_wait3A_418 : memref<1x32x128xf32, #tpu.memory_space<vmem>> -> memref<32x128xf32, #tpu.memory_space<vmem>>
      %dma_wait3A_420 = arith.constant 0 : i32
      %dma_wait3A_421 = arith.constant 0 : i32
      %dma_wait3A_422 = tpu.memref_slice %arg3[%dma_wait3A_420, %dma_wait3A_421] : memref<32x1000000xf32, #tpu.memory_space<hbm>> -> memref<32x128xf32, #tpu.memory_space<hbm>>
      %dma_wait3A_423 = arith.constant 0 : i32
      %dma_wait3A_424 = arith.constant 0 : i32
      %dma_wait3A_425 = tpu.memref_slice %arg6[%dma_wait3A_415, %dma_wait3A_423, %dma_wait3A_424] : memref<16x32x128xf32, #tpu.memory_space<vmem>> -> memref<1x32x128xf32, #tpu.memory_space<vmem>>
      %dma_wait3A_426 = tpu.memref_squeeze %dma_wait3A_425 : memref<1x32x128xf32, #tpu.memory_space<vmem>> -> memref<32x128xf32, #tpu.memory_space<vmem>>
      %dma_wait3A_427 = arith.constant 0 : i32
      %dma_wait3A_428 = arith.constant 0 : i32
      %dma_wait3A_429 = tpu.memref_slice %arg3[%dma_wait3A_427, %dma_wait3A_428] : memref<32x1000000xf32, #tpu.memory_space<hbm>> -> memref<32x128xf32, #tpu.memory_space<hbm>>
      tpu.wait_dma2 semaphore(%arg8 : memref<!tpu.dma_semaphore, #tpu.memory_space<semaphore_mem>>) src(%dma_wait3A_429 : memref<32x128xf32, #tpu.memory_space<hbm>>) dst(%dma_wait3A_426 : memref<32x128xf32, #tpu.memory_space<vmem>>)
      %dma_wait3A_430 = arith.constant 10 : i32
      %dma_wait3A_431 = arith.constant 0 : i32
      %dma_wait3A_432 = arith.constant 0 : i32
      %dma_wait3A_433 = tpu.memref_slice %arg6[%dma_wait3A_430, %dma_wait3A_431, %dma_wait3A_432] : memref<16x32x128xf32, #tpu.memory_space<vmem>> -> memref<1x32x128xf32, #tpu.memory_space<vmem>>
      %dma_wait3A_434 = tpu.memref_squeeze %dma_wait3A_433 : memref<1x32x128xf32, #tpu.memory_space<vmem>> -> memref<32x128xf32, #tpu.memory_space<vmem>>
      %dma_wait3A_435 = arith.constant 0 : i32
      %dma_wait3A_436 = arith.constant 0 : i32
      %dma_wait3A_437 = tpu.memref_slice %arg3[%dma_wait3A_435, %dma_wait3A_436] : memref<32x1000000xf32, #tpu.memory_space<hbm>> -> memref<32x128xf32, #tpu.memory_space<hbm>>
      %dma_wait3A_438 = arith.constant 0 : i32
      %dma_wait3A_439 = arith.constant 0 : i32
      %dma_wait3A_440 = tpu.memref_slice %arg6[%dma_wait3A_430, %dma_wait3A_438, %dma_wait3A_439] : memref<16x32x128xf32, #tpu.memory_space<vmem>> -> memref<1x32x128xf32, #tpu.memory_space<vmem>>
      %dma_wait3A_441 = tpu.memref_squeeze %dma_wait3A_440 : memref<1x32x128xf32, #tpu.memory_space<vmem>> -> memref<32x128xf32, #tpu.memory_space<vmem>>
      %dma_wait3A_442 = arith.constant 0 : i32
      %dma_wait3A_443 = arith.constant 0 : i32
      %dma_wait3A_444 = tpu.memref_slice %arg3[%dma_wait3A_442, %dma_wait3A_443] : memref<32x1000000xf32, #tpu.memory_space<hbm>> -> memref<32x128xf32, #tpu.memory_space<hbm>>
      tpu.wait_dma2 semaphore(%arg8 : memref<!tpu.dma_semaphore, #tpu.memory_space<semaphore_mem>>) src(%dma_wait3A_444 : memref<32x128xf32, #tpu.memory_space<hbm>>) dst(%dma_wait3A_441 : memref<32x128xf32, #tpu.memory_space<vmem>>)
      %dma_wait3A_445 = arith.constant 11 : i32
      %dma_wait3A_446 = arith.constant 0 : i32
      %dma_wait3A_447 = arith.constant 0 : i32
      %dma_wait3A_448 = tpu.memref_slice %arg6[%dma_wait3A_445, %dma_wait3A_446, %dma_wait3A_447] : memref<16x32x128xf32, #tpu.memory_space<vmem>> -> memref<1x32x128xf32, #tpu.memory_space<vmem>>
      %dma_wait3A_449 = tpu.memref_squeeze %dma_wait3A_448 : memref<1x32x128xf32, #tpu.memory_space<vmem>> -> memref<32x128xf32, #tpu.memory_space<vmem>>
      %dma_wait3A_450 = arith.constant 0 : i32
      %dma_wait3A_451 = arith.constant 0 : i32
      %dma_wait3A_452 = tpu.memref_slice %arg3[%dma_wait3A_450, %dma_wait3A_451] : memref<32x1000000xf32, #tpu.memory_space<hbm>> -> memref<32x128xf32, #tpu.memory_space<hbm>>
      %dma_wait3A_453 = arith.constant 0 : i32
      %dma_wait3A_454 = arith.constant 0 : i32
      %dma_wait3A_455 = tpu.memref_slice %arg6[%dma_wait3A_445, %dma_wait3A_453, %dma_wait3A_454] : memref<16x32x128xf32, #tpu.memory_space<vmem>> -> memref<1x32x128xf32, #tpu.memory_space<vmem>>
      %dma_wait3A_456 = tpu.memref_squeeze %dma_wait3A_455 : memref<1x32x128xf32, #tpu.memory_space<vmem>> -> memref<32x128xf32, #tpu.memory_space<vmem>>
      %dma_wait3A_457 = arith.constant 0 : i32
      %dma_wait3A_458 = arith.constant 0 : i32
      %dma_wait3A_459 = tpu.memref_slice %arg3[%dma_wait3A_457, %dma_wait3A_458] : memref<32x1000000xf32, #tpu.memory_space<hbm>> -> memref<32x128xf32, #tpu.memory_space<hbm>>
      tpu.wait_dma2 semaphore(%arg8 : memref<!tpu.dma_semaphore, #tpu.memory_space<semaphore_mem>>) src(%dma_wait3A_459 : memref<32x128xf32, #tpu.memory_space<hbm>>) dst(%dma_wait3A_456 : memref<32x128xf32, #tpu.memory_space<vmem>>)
      %dma_wait3A_460 = arith.constant 12 : i32
      %dma_wait3A_461 = arith.constant 0 : i32
      %dma_wait3A_462 = arith.constant 0 : i32
      %dma_wait3A_463 = tpu.memref_slice %arg6[%dma_wait3A_460, %dma_wait3A_461, %dma_wait3A_462] : memref<16x32x128xf32, #tpu.memory_space<vmem>> -> memref<1x32x128xf32, #tpu.memory_space<vmem>>
      %dma_wait3A_464 = tpu.memref_squeeze %dma_wait3A_463 : memref<1x32x128xf32, #tpu.memory_space<vmem>> -> memref<32x128xf32, #tpu.memory_space<vmem>>
      %dma_wait3A_465 = arith.constant 0 : i32
      %dma_wait3A_466 = arith.constant 0 : i32
      %dma_wait3A_467 = tpu.memref_slice %arg3[%dma_wait3A_465, %dma_wait3A_466] : memref<32x1000000xf32, #tpu.memory_space<hbm>> -> memref<32x128xf32, #tpu.memory_space<hbm>>
      %dma_wait3A_468 = arith.constant 0 : i32
      %dma_wait3A_469 = arith.constant 0 : i32
      %dma_wait3A_470 = tpu.memref_slice %arg6[%dma_wait3A_460, %dma_wait3A_468, %dma_wait3A_469] : memref<16x32x128xf32, #tpu.memory_space<vmem>> -> memref<1x32x128xf32, #tpu.memory_space<vmem>>
      %dma_wait3A_471 = tpu.memref_squeeze %dma_wait3A_470 : memref<1x32x128xf32, #tpu.memory_space<vmem>> -> memref<32x128xf32, #tpu.memory_space<vmem>>
      %dma_wait3A_472 = arith.constant 0 : i32
      %dma_wait3A_473 = arith.constant 0 : i32
      %dma_wait3A_474 = tpu.memref_slice %arg3[%dma_wait3A_472, %dma_wait3A_473] : memref<32x1000000xf32, #tpu.memory_space<hbm>> -> memref<32x128xf32, #tpu.memory_space<hbm>>
      tpu.wait_dma2 semaphore(%arg8 : memref<!tpu.dma_semaphore, #tpu.memory_space<semaphore_mem>>) src(%dma_wait3A_474 : memref<32x128xf32, #tpu.memory_space<hbm>>) dst(%dma_wait3A_471 : memref<32x128xf32, #tpu.memory_space<vmem>>)
      %dma_wait3A_475 = arith.constant 13 : i32
      %dma_wait3A_476 = arith.constant 0 : i32
      %dma_wait3A_477 = arith.constant 0 : i32
      %dma_wait3A_478 = tpu.memref_slice %arg6[%dma_wait3A_475, %dma_wait3A_476, %dma_wait3A_477] : memref<16x32x128xf32, #tpu.memory_space<vmem>> -> memref<1x32x128xf32, #tpu.memory_space<vmem>>
      %dma_wait3A_479 = tpu.memref_squeeze %dma_wait3A_478 : memref<1x32x128xf32, #tpu.memory_space<vmem>> -> memref<32x128xf32, #tpu.memory_space<vmem>>
      %dma_wait3A_480 = arith.constant 0 : i32
      %dma_wait3A_481 = arith.constant 0 : i32
      %dma_wait3A_482 = tpu.memref_slice %arg3[%dma_wait3A_480, %dma_wait3A_481] : memref<32x1000000xf32, #tpu.memory_space<hbm>> -> memref<32x128xf32, #tpu.memory_space<hbm>>
      %dma_wait3A_483 = arith.constant 0 : i32
      %dma_wait3A_484 = arith.constant 0 : i32
      %dma_wait3A_485 = tpu.memref_slice %arg6[%dma_wait3A_475, %dma_wait3A_483, %dma_wait3A_484] : memref<16x32x128xf32, #tpu.memory_space<vmem>> -> memref<1x32x128xf32, #tpu.memory_space<vmem>>
      %dma_wait3A_486 = tpu.memref_squeeze %dma_wait3A_485 : memref<1x32x128xf32, #tpu.memory_space<vmem>> -> memref<32x128xf32, #tpu.memory_space<vmem>>
      %dma_wait3A_487 = arith.constant 0 : i32
      %dma_wait3A_488 = arith.constant 0 : i32
      %dma_wait3A_489 = tpu.memref_slice %arg3[%dma_wait3A_487, %dma_wait3A_488] : memref<32x1000000xf32, #tpu.memory_space<hbm>> -> memref<32x128xf32, #tpu.memory_space<hbm>>
      tpu.wait_dma2 semaphore(%arg8 : memref<!tpu.dma_semaphore, #tpu.memory_space<semaphore_mem>>) src(%dma_wait3A_489 : memref<32x128xf32, #tpu.memory_space<hbm>>) dst(%dma_wait3A_486 : memref<32x128xf32, #tpu.memory_space<vmem>>)
      %dma_wait3A_490 = arith.constant 14 : i32
      %dma_wait3A_491 = arith.constant 0 : i32
      %dma_wait3A_492 = arith.constant 0 : i32
      %dma_wait3A_493 = tpu.memref_slice %arg6[%dma_wait3A_490, %dma_wait3A_491, %dma_wait3A_492] : memref<16x32x128xf32, #tpu.memory_space<vmem>> -> memref<1x32x128xf32, #tpu.memory_space<vmem>>
      %dma_wait3A_494 = tpu.memref_squeeze %dma_wait3A_493 : memref<1x32x128xf32, #tpu.memory_space<vmem>> -> memref<32x128xf32, #tpu.memory_space<vmem>>
      %dma_wait3A_495 = arith.constant 0 : i32
      %dma_wait3A_496 = arith.constant 0 : i32
      %dma_wait3A_497 = tpu.memref_slice %arg3[%dma_wait3A_495, %dma_wait3A_496] : memref<32x1000000xf32, #tpu.memory_space<hbm>> -> memref<32x128xf32, #tpu.memory_space<hbm>>
      %dma_wait3A_498 = arith.constant 0 : i32
      %dma_wait3A_499 = arith.constant 0 : i32
      %dma_wait3A_500 = tpu.memref_slice %arg6[%dma_wait3A_490, %dma_wait3A_498, %dma_wait3A_499] : memref<16x32x128xf32, #tpu.memory_space<vmem>> -> memref<1x32x128xf32, #tpu.memory_space<vmem>>
      %dma_wait3A_501 = tpu.memref_squeeze %dma_wait3A_500 : memref<1x32x128xf32, #tpu.memory_space<vmem>> -> memref<32x128xf32, #tpu.memory_space<vmem>>
      %dma_wait3A_502 = arith.constant 0 : i32
      %dma_wait3A_503 = arith.constant 0 : i32
      %dma_wait3A_504 = tpu.memref_slice %arg3[%dma_wait3A_502, %dma_wait3A_503] : memref<32x1000000xf32, #tpu.memory_space<hbm>> -> memref<32x128xf32, #tpu.memory_space<hbm>>
      tpu.wait_dma2 semaphore(%arg8 : memref<!tpu.dma_semaphore, #tpu.memory_space<semaphore_mem>>) src(%dma_wait3A_504 : memref<32x128xf32, #tpu.memory_space<hbm>>) dst(%dma_wait3A_501 : memref<32x128xf32, #tpu.memory_space<vmem>>)
      %dma_wait3A_505 = arith.constant 15 : i32
      %dma_wait3A_506 = arith.constant 0 : i32
      %dma_wait3A_507 = arith.constant 0 : i32
      %dma_wait3A_508 = tpu.memref_slice %arg6[%dma_wait3A_505, %dma_wait3A_506, %dma_wait3A_507] : memref<16x32x128xf32, #tpu.memory_space<vmem>> -> memref<1x32x128xf32, #tpu.memory_space<vmem>>
      %dma_wait3A_509 = tpu.memref_squeeze %dma_wait3A_508 : memref<1x32x128xf32, #tpu.memory_space<vmem>> -> memref<32x128xf32, #tpu.memory_space<vmem>>
      %dma_wait3A_510 = arith.constant 0 : i32
      %dma_wait3A_511 = arith.constant 0 : i32
      %dma_wait3A_512 = tpu.memref_slice %arg3[%dma_wait3A_510, %dma_wait3A_511] : memref<32x1000000xf32, #tpu.memory_space<hbm>> -> memref<32x128xf32, #tpu.memory_space<hbm>>
      %dma_wait3A_513 = arith.constant 0 : i32
      %dma_wait3A_514 = arith.constant 0 : i32
      %dma_wait3A_515 = tpu.memref_slice %arg6[%dma_wait3A_505, %dma_wait3A_513, %dma_wait3A_514] : memref<16x32x128xf32, #tpu.memory_space<vmem>> -> memref<1x32x128xf32, #tpu.memory_space<vmem>>
      %dma_wait3A_516 = tpu.memref_squeeze %dma_wait3A_515 : memref<1x32x128xf32, #tpu.memory_space<vmem>> -> memref<32x128xf32, #tpu.memory_space<vmem>>
      %dma_wait3A_517 = arith.constant 0 : i32
      %dma_wait3A_518 = arith.constant 0 : i32
      %dma_wait3A_519 = tpu.memref_slice %arg3[%dma_wait3A_517, %dma_wait3A_518] : memref<32x1000000xf32, #tpu.memory_space<hbm>> -> memref<32x128xf32, #tpu.memory_space<hbm>>
      tpu.wait_dma2 semaphore(%arg8 : memref<!tpu.dma_semaphore, #tpu.memory_space<semaphore_mem>>) src(%dma_wait3A_519 : memref<32x128xf32, #tpu.memory_space<hbm>>) dst(%dma_wait3A_516 : memref<32x128xf32, #tpu.memory_space<vmem>>)
      %mul3A_520 = arith.constant 0 : i32
      %mul3A_521 = vector.broadcast %mul3A_520 : i32 to vector<16xi32>
      %mul3A_522 = arith.muli %iota3A, %mul3A_521 : vector<16xi32>
      %add3A_523 = arith.constant 0 : i32
      %add3A_524 = vector.broadcast %add3A_523 : i32 to vector<16xi32>
      %add3A_525 = arith.addi %mul3A_522, %add3A_524 : vector<16xi32>
      %gather3A = tpu.vector_load_idx %arg6[%add3A_280, %add3A_525, %and3A_277] : memref<16x32x128xf32, #tpu.memory_space<vmem>>[vector<16xi32>, vector<16xi32>, vector<16xi32>], vector<16xf32>,
      %add3A_526 = arith.constant 0 : i32
      %add3A_527 = arith.addi %mul3A_12, %add3A_526 : i32
      %swap3A = arith.constant 0 : i32
      %swap3A_528 = arith.index_cast %swap3A : i32 to index
      %swap3A_529 = arith.index_cast %add3A_527 : i32 to index
      %swap3A_530 = tpu.vector_load %arg7[%swap3A_528, %swap3A_529] {strides = array<i32>} : memref<32x512xf32, #tpu.memory_space<vmem>>, vector<16xf32>,
      tpu.vector_store %arg7[%swap3A_528, %swap3A_529], %gather3A {strides = array<i32>} : memref<32x512xf32, #tpu.memory_space<vmem>>, vector<16xf32>,
      %mul3A_531 = arith.constant 0 : i32
      %mul3A_532 = vector.broadcast %mul3A_531 : i32 to vector<16xi32>
      %mul3A_533 = arith.muli %iota3A, %mul3A_532 : vector<16xi32>
      %add3A_534 = arith.constant 1 : i32
      %add3A_535 = vector.broadcast %add3A_534 : i32 to vector<16xi32>
      %add3A_536 = arith.addi %mul3A_533, %add3A_535 : vector<16xi32>
      %gather3A_537 = tpu.vector_load_idx %arg6[%add3A_280, %add3A_536, %and3A_277] : memref<16x32x128xf32, #tpu.memory_space<vmem>>[vector<16xi32>, vector<16xi32>, vector<16xi32>], vector<16xf32>,
      %add3A_538 = arith.constant 0 : i32
      %add3A_539 = arith.addi %mul3A_12, %add3A_538 : i32
      %swap3A_540 = arith.constant 1 : i32
      %swap3A_541 = arith.index_cast %swap3A_540 : i32 to index
      %swap3A_542 = arith.index_cast %add3A_539 : i32 to index
      %swap3A_543 = tpu.vector_load %arg7[%swap3A_541, %swap3A_542] {strides = array<i32>} : memref<32x512xf32, #tpu.memory_space<vmem>>, vector<16xf32>,
      tpu.vector_store %arg7[%swap3A_541, %swap3A_542], %gather3A_537 {strides = array<i32>} : memref<32x512xf32, #tpu.memory_space<vmem>>, vector<16xf32>,
      %mul3A_544 = arith.constant 0 : i32
      %mul3A_545 = vector.broadcast %mul3A_544 : i32 to vector<16xi32>
      %mul3A_546 = arith.muli %iota3A, %mul3A_545 : vector<16xi32>
      %add3A_547 = arith.constant 2 : i32
      %add3A_548 = vector.broadcast %add3A_547 : i32 to vector<16xi32>
      %add3A_549 = arith.addi %mul3A_546, %add3A_548 : vector<16xi32>
      %gather3A_550 = tpu.vector_load_idx %arg6[%add3A_280, %add3A_549, %and3A_277] : memref<16x32x128xf32, #tpu.memory_space<vmem>>[vector<16xi32>, vector<16xi32>, vector<16xi32>], vector<16xf32>,
      %add3A_551 = arith.constant 0 : i32
      %add3A_552 = arith.addi %mul3A_12, %add3A_551 : i32
      %swap3A_553 = arith.constant 2 : i32
      %swap3A_554 = arith.index_cast %swap3A_553 : i32 to index
      %swap3A_555 = arith.index_cast %add3A_552 : i32 to index
      %swap3A_556 = tpu.vector_load %arg7[%swap3A_554, %swap3A_555] {strides = array<i32>} : memref<32x512xf32, #tpu.memory_space<vmem>>, vector<16xf32>,
      tpu.vector_store %arg7[%swap3A_554, %swap3A_555], %gather3A_550 {strides = array<i32>} : memref<32x512xf32, #tpu.memory_space<vmem>>, vector<16xf32>,
      %mul3A_557 = arith.constant 0 : i32
      %mul3A_558 = vector.broadcast %mul3A_557 : i32 to vector<16xi32>
      %mul3A_559 = arith.muli %iota3A, %mul3A_558 : vector<16xi32>
      %add3A_560 = arith.constant 3 : i32
      %add3A_561 = vector.broadcast %add3A_560 : i32 to vector<16xi32>
      %add3A_562 = arith.addi %mul3A_559, %add3A_561 : vector<16xi32>
      %gather3A_563 = tpu.vector_load_idx %arg6[%add3A_280, %add3A_562, %and3A_277] : memref<16x32x128xf32, #tpu.memory_space<vmem>>[vector<16xi32>, vector<16xi32>, vector<16xi32>], vector<16xf32>,
      %add3A_564 = arith.constant 0 : i32
      %add3A_565 = arith.addi %mul3A_12, %add3A_564 : i32
      %swap3A_566 = arith.constant 3 : i32
      %swap3A_567 = arith.index_cast %swap3A_566 : i32 to index
      %swap3A_568 = arith.index_cast %add3A_565 : i32 to index
      %swap3A_569 = tpu.vector_load %arg7[%swap3A_567, %swap3A_568] {strides = array<i32>} : memref<32x512xf32, #tpu.memory_space<vmem>>, vector<16xf32>,
      tpu.vector_store %arg7[%swap3A_567, %swap3A_568], %gather3A_563 {strides = array<i32>} : memref<32x512xf32, #tpu.memory_space<vmem>>, vector<16xf32>,
      %mul3A_570 = arith.constant 0 : i32
      %mul3A_571 = vector.broadcast %mul3A_570 : i32 to vector<16xi32>
      %mul3A_572 = arith.muli %iota3A, %mul3A_571 : vector<16xi32>
      %add3A_573 = arith.constant 4 : i32
      %add3A_574 = vector.broadcast %add3A_573 : i32 to vector<16xi32>
      %add3A_575 = arith.addi %mul3A_572, %add3A_574 : vector<16xi32>
      %gather3A_576 = tpu.vector_load_idx %arg6[%add3A_280, %add3A_575, %and3A_277] : memref<16x32x128xf32, #tpu.memory_space<vmem>>[vector<16xi32>, vector<16xi32>, vector<16xi32>], vector<16xf32>,
      %add3A_577 = arith.constant 0 : i32
      %add3A_578 = arith.addi %mul3A_12, %add3A_577 : i32
      %swap3A_579 = arith.constant 4 : i32
      %swap3A_580 = arith.index_cast %swap3A_579 : i32 to index
      %swap3A_581 = arith.index_cast %add3A_578 : i32 to index
      %swap3A_582 = tpu.vector_load %arg7[%swap3A_580, %swap3A_581] {strides = array<i32>} : memref<32x512xf32, #tpu.memory_space<vmem>>, vector<16xf32>,
      tpu.vector_store %arg7[%swap3A_580, %swap3A_581], %gather3A_576 {strides = array<i32>} : memref<32x512xf32, #tpu.memory_space<vmem>>, vector<16xf32>,
      %mul3A_583 = arith.constant 0 : i32
      %mul3A_584 = vector.broadcast %mul3A_583 : i32 to vector<16xi32>
      %mul3A_585 = arith.muli %iota3A, %mul3A_584 : vector<16xi32>
      %add3A_586 = arith.constant 5 : i32
      %add3A_587 = vector.broadcast %add3A_586 : i32 to vector<16xi32>
      %add3A_588 = arith.addi %mul3A_585, %add3A_587 : vector<16xi32>
      %gather3A_589 = tpu.vector_load_idx %arg6[%add3A_280, %add3A_588, %and3A_277] : memref<16x32x128xf32, #tpu.memory_space<vmem>>[vector<16xi32>, vector<16xi32>, vector<16xi32>], vector<16xf32>,
      %add3A_590 = arith.constant 0 : i32
      %add3A_591 = arith.addi %mul3A_12, %add3A_590 : i32
      %swap3A_592 = arith.constant 5 : i32
      %swap3A_593 = arith.index_cast %swap3A_592 : i32 to index
      %swap3A_594 = arith.index_cast %add3A_591 : i32 to index
      %swap3A_595 = tpu.vector_load %arg7[%swap3A_593, %swap3A_594] {strides = array<i32>} : memref<32x512xf32, #tpu.memory_space<vmem>>, vector<16xf32>,
      tpu.vector_store %arg7[%swap3A_593, %swap3A_594], %gather3A_589 {strides = array<i32>} : memref<32x512xf32, #tpu.memory_space<vmem>>, vector<16xf32>,
      %mul3A_596 = arith.constant 0 : i32
      %mul3A_597 = vector.broadcast %mul3A_596 : i32 to vector<16xi32>
      %mul3A_598 = arith.muli %iota3A, %mul3A_597 : vector<16xi32>
      %add3A_599 = arith.constant 6 : i32
      %add3A_600 = vector.broadcast %add3A_599 : i32 to vector<16xi32>
      %add3A_601 = arith.addi %mul3A_598, %add3A_600 : vector<16xi32>
      %gather3A_602 = tpu.vector_load_idx %arg6[%add3A_280, %add3A_601, %and3A_277] : memref<16x32x128xf32, #tpu.memory_space<vmem>>[vector<16xi32>, vector<16xi32>, vector<16xi32>], vector<16xf32>,
      %add3A_603 = arith.constant 0 : i32
      %add3A_604 = arith.addi %mul3A_12, %add3A_603 : i32
      %swap3A_605 = arith.constant 6 : i32
      %swap3A_606 = arith.index_cast %swap3A_605 : i32 to index
      %swap3A_607 = arith.index_cast %add3A_604 : i32 to index
      %swap3A_608 = tpu.vector_load %arg7[%swap3A_606, %swap3A_607] {strides = array<i32>} : memref<32x512xf32, #tpu.memory_space<vmem>>, vector<16xf32>,
      tpu.vector_store %arg7[%swap3A_606, %swap3A_607], %gather3A_602 {strides = array<i32>} : memref<32x512xf32, #tpu.memory_space<vmem>>, vector<16xf32>,
      %mul3A_609 = arith.constant 0 : i32
      %mul3A_610 = vector.broadcast %mul3A_609 : i32 to vector<16xi32>
      %mul3A_611 = arith.muli %iota3A, %mul3A_610 : vector<16xi32>
      %add3A_612 = arith.constant 7 : i32
      %add3A_613 = vector.broadcast %add3A_612 : i32 to vector<16xi32>
      %add3A_614 = arith.addi %mul3A_611, %add3A_613 : vector<16xi32>
      %gather3A_615 = tpu.vector_load_idx %arg6[%add3A_280, %add3A_614, %and3A_277] : memref<16x32x128xf32, #tpu.memory_space<vmem>>[vector<16xi32>, vector<16xi32>, vector<16xi32>], vector<16xf32>,
      %add3A_616 = arith.constant 0 : i32
      %add3A_617 = arith.addi %mul3A_12, %add3A_616 : i32
      %swap3A_618 = arith.constant 7 : i32
      %swap3A_619 = arith.index_cast %swap3A_618 : i32 to index
      %swap3A_620 = arith.index_cast %add3A_617 : i32 to index
      %swap3A_621 = tpu.vector_load %arg7[%swap3A_619, %swap3A_620] {strides = array<i32>} : memref<32x512xf32, #tpu.memory_space<vmem>>, vector<16xf32>,
      tpu.vector_store %arg7[%swap3A_619, %swap3A_620], %gather3A_615 {strides = array<i32>} : memref<32x512xf32, #tpu.memory_space<vmem>>, vector<16xf32>,
      %mul3A_622 = arith.constant 0 : i32
      %mul3A_623 = vector.broadcast %mul3A_622 : i32 to vector<16xi32>
      %mul3A_624 = arith.muli %iota3A, %mul3A_623 : vector<16xi32>
      %add3A_625 = arith.constant 8 : i32
      %add3A_626 = vector.broadcast %add3A_625 : i32 to vector<16xi32>
      %add3A_627 = arith.addi %mul3A_624, %add3A_626 : vector<16xi32>
      %gather3A_628 = tpu.vector_load_idx %arg6[%add3A_280, %add3A_627, %and3A_277] : memref<16x32x128xf32, #tpu.memory_space<vmem>>[vector<16xi32>, vector<16xi32>, vector<16xi32>], vector<16xf32>,
      %add3A_629 = arith.constant 0 : i32
      %add3A_630 = arith.addi %mul3A_12, %add3A_629 : i32
      %swap3A_631 = arith.constant 8 : i32
      %swap3A_632 = arith.index_cast %swap3A_631 : i32 to index
      %swap3A_633 = arith.index_cast %add3A_630 : i32 to index
      %swap3A_634 = tpu.vector_load %arg7[%swap3A_632, %swap3A_633] {strides = array<i32>} : memref<32x512xf32, #tpu.memory_space<vmem>>, vector<16xf32>,
      tpu.vector_store %arg7[%swap3A_632, %swap3A_633], %gather3A_628 {strides = array<i32>} : memref<32x512xf32, #tpu.memory_space<vmem>>, vector<16xf32>,
      %mul3A_635 = arith.constant 0 : i32
      %mul3A_636 = vector.broadcast %mul3A_635 : i32 to vector<16xi32>
      %mul3A_637 = arith.muli %iota3A, %mul3A_636 : vector<16xi32>
      %add3A_638 = arith.constant 9 : i32
      %add3A_639 = vector.broadcast %add3A_638 : i32 to vector<16xi32>
      %add3A_640 = arith.addi %mul3A_637, %add3A_639 : vector<16xi32>
      %gather3A_641 = tpu.vector_load_idx %arg6[%add3A_280, %add3A_640, %and3A_277] : memref<16x32x128xf32, #tpu.memory_space<vmem>>[vector<16xi32>, vector<16xi32>, vector<16xi32>], vector<16xf32>,
      %add3A_642 = arith.constant 0 : i32
      %add3A_643 = arith.addi %mul3A_12, %add3A_642 : i32
      %swap3A_644 = arith.constant 9 : i32
      %swap3A_645 = arith.index_cast %swap3A_644 : i32 to index
      %swap3A_646 = arith.index_cast %add3A_643 : i32 to index
      %swap3A_647 = tpu.vector_load %arg7[%swap3A_645, %swap3A_646] {strides = array<i32>} : memref<32x512xf32, #tpu.memory_space<vmem>>, vector<16xf32>,
      tpu.vector_store %arg7[%swap3A_645, %swap3A_646], %gather3A_641 {strides = array<i32>} : memref<32x512xf32, #tpu.memory_space<vmem>>, vector<16xf32>,
      %mul3A_648 = arith.constant 0 : i32
      %mul3A_649 = vector.broadcast %mul3A_648 : i32 to vector<16xi32>
      %mul3A_650 = arith.muli %iota3A, %mul3A_649 : vector<16xi32>
      %add3A_651 = arith.constant 10 : i32
      %add3A_652 = vector.broadcast %add3A_651 : i32 to vector<16xi32>
      %add3A_653 = arith.addi %mul3A_650, %add3A_652 : vector<16xi32>
      %gather3A_654 = tpu.vector_load_idx %arg6[%add3A_280, %add3A_653, %and3A_277] : memref<16x32x128xf32, #tpu.memory_space<vmem>>[vector<16xi32>, vector<16xi32>, vector<16xi32>], vector<16xf32>,
      %add3A_655 = arith.constant 0 : i32
      %add3A_656 = arith.addi %mul3A_12, %add3A_655 : i32
      %swap3A_657 = arith.constant 10 : i32
      %swap3A_658 = arith.index_cast %swap3A_657 : i32 to index
      %swap3A_659 = arith.index_cast %add3A_656 : i32 to index
      %swap3A_660 = tpu.vector_load %arg7[%swap3A_658, %swap3A_659] {strides = array<i32>} : memref<32x512xf32, #tpu.memory_space<vmem>>, vector<16xf32>,
      tpu.vector_store %arg7[%swap3A_658, %swap3A_659], %gather3A_654 {strides = array<i32>} : memref<32x512xf32, #tpu.memory_space<vmem>>, vector<16xf32>,
      %mul3A_661 = arith.constant 0 : i32
      %mul3A_662 = vector.broadcast %mul3A_661 : i32 to vector<16xi32>
      %mul3A_663 = arith.muli %iota3A, %mul3A_662 : vector<16xi32>
      %add3A_664 = arith.constant 11 : i32
      %add3A_665 = vector.broadcast %add3A_664 : i32 to vector<16xi32>
      %add3A_666 = arith.addi %mul3A_663, %add3A_665 : vector<16xi32>
      %gather3A_667 = tpu.vector_load_idx %arg6[%add3A_280, %add3A_666, %and3A_277] : memref<16x32x128xf32, #tpu.memory_space<vmem>>[vector<16xi32>, vector<16xi32>, vector<16xi32>], vector<16xf32>,
      %add3A_668 = arith.constant 0 : i32
      %add3A_669 = arith.addi %mul3A_12, %add3A_668 : i32
      %swap3A_670 = arith.constant 11 : i32
      %swap3A_671 = arith.index_cast %swap3A_670 : i32 to index
      %swap3A_672 = arith.index_cast %add3A_669 : i32 to index
      %swap3A_673 = tpu.vector_load %arg7[%swap3A_671, %swap3A_672] {strides = array<i32>} : memref<32x512xf32, #tpu.memory_space<vmem>>, vector<16xf32>,
      tpu.vector_store %arg7[%swap3A_671, %swap3A_672], %gather3A_667 {strides = array<i32>} : memref<32x512xf32, #tpu.memory_space<vmem>>, vector<16xf32>,
      %mul3A_674 = arith.constant 0 : i32
      %mul3A_675 = vector.broadcast %mul3A_674 : i32 to vector<16xi32>
      %mul3A_676 = arith.muli %iota3A, %mul3A_675 : vector<16xi32>
      %add3A_677 = arith.constant 12 : i32
      %add3A_678 = vector.broadcast %add3A_677 : i32 to vector<16xi32>
      %add3A_679 = arith.addi %mul3A_676, %add3A_678 : vector<16xi32>
      %gather3A_680 = tpu.vector_load_idx %arg6[%add3A_280, %add3A_679, %and3A_277] : memref<16x32x128xf32, #tpu.memory_space<vmem>>[vector<16xi32>, vector<16xi32>, vector<16xi32>], vector<16xf32>,
      %add3A_681 = arith.constant 0 : i32
      %add3A_682 = arith.addi %mul3A_12, %add3A_681 : i32
      %swap3A_683 = arith.constant 12 : i32
      %swap3A_684 = arith.index_cast %swap3A_683 : i32 to index
      %swap3A_685 = arith.index_cast %add3A_682 : i32 to index
      %swap3A_686 = tpu.vector_load %arg7[%swap3A_684, %swap3A_685] {strides = array<i32>} : memref<32x512xf32, #tpu.memory_space<vmem>>, vector<16xf32>,
      tpu.vector_store %arg7[%swap3A_684, %swap3A_685], %gather3A_680 {strides = array<i32>} : memref<32x512xf32, #tpu.memory_space<vmem>>, vector<16xf32>,
      %mul3A_687 = arith.constant 0 : i32
      %mul3A_688 = vector.broadcast %mul3A_687 : i32 to vector<16xi32>
      %mul3A_689 = arith.muli %iota3A, %mul3A_688 : vector<16xi32>
      %add3A_690 = arith.constant 13 : i32
      %add3A_691 = vector.broadcast %add3A_690 : i32 to vector<16xi32>
      %add3A_692 = arith.addi %mul3A_689, %add3A_691 : vector<16xi32>
      %gather3A_693 = tpu.vector_load_idx %arg6[%add3A_280, %add3A_692, %and3A_277] : memref<16x32x128xf32, #tpu.memory_space<vmem>>[vector<16xi32>, vector<16xi32>, vector<16xi32>], vector<16xf32>,
      %add3A_694 = arith.constant 0 : i32
      %add3A_695 = arith.addi %mul3A_12, %add3A_694 : i32
      %swap3A_696 = arith.constant 13 : i32
      %swap3A_697 = arith.index_cast %swap3A_696 : i32 to index
      %swap3A_698 = arith.index_cast %add3A_695 : i32 to index
      %swap3A_699 = tpu.vector_load %arg7[%swap3A_697, %swap3A_698] {strides = array<i32>} : memref<32x512xf32, #tpu.memory_space<vmem>>, vector<16xf32>,
      tpu.vector_store %arg7[%swap3A_697, %swap3A_698], %gather3A_693 {strides = array<i32>} : memref<32x512xf32, #tpu.memory_space<vmem>>, vector<16xf32>,
      %mul3A_700 = arith.constant 0 : i32
      %mul3A_701 = vector.broadcast %mul3A_700 : i32 to vector<16xi32>
      %mul3A_702 = arith.muli %iota3A, %mul3A_701 : vector<16xi32>
      %add3A_703 = arith.constant 14 : i32
      %add3A_704 = vector.broadcast %add3A_703 : i32 to vector<16xi32>
      %add3A_705 = arith.addi %mul3A_702, %add3A_704 : vector<16xi32>
      %gather3A_706 = tpu.vector_load_idx %arg6[%add3A_280, %add3A_705, %and3A_277] : memref<16x32x128xf32, #tpu.memory_space<vmem>>[vector<16xi32>, vector<16xi32>, vector<16xi32>], vector<16xf32>,
      %add3A_707 = arith.constant 0 : i32
      %add3A_708 = arith.addi %mul3A_12, %add3A_707 : i32
      %swap3A_709 = arith.constant 14 : i32
      %swap3A_710 = arith.index_cast %swap3A_709 : i32 to index
      %swap3A_711 = arith.index_cast %add3A_708 : i32 to index
      %swap3A_712 = tpu.vector_load %arg7[%swap3A_710, %swap3A_711] {strides = array<i32>} : memref<32x512xf32, #tpu.memory_space<vmem>>, vector<16xf32>,
      tpu.vector_store %arg7[%swap3A_710, %swap3A_711], %gather3A_706 {strides = array<i32>} : memref<32x512xf32, #tpu.memory_space<vmem>>, vector<16xf32>,
      %mul3A_713 = arith.constant 0 : i32
      %mul3A_714 = vector.broadcast %mul3A_713 : i32 to vector<16xi32>
      %mul3A_715 = arith.muli %iota3A, %mul3A_714 : vector<16xi32>
      %add3A_716 = arith.constant 15 : i32
      %add3A_717 = vector.broadcast %add3A_716 : i32 to vector<16xi32>
      %add3A_718 = arith.addi %mul3A_715, %add3A_717 : vector<16xi32>
      %gather3A_719 = tpu.vector_load_idx %arg6[%add3A_280, %add3A_718, %and3A_277] : memref<16x32x128xf32, #tpu.memory_space<vmem>>[vector<16xi32>, vector<16xi32>, vector<16xi32>], vector<16xf32>,
      %add3A_720 = arith.constant 0 : i32
      %add3A_721 = arith.addi %mul3A_12, %add3A_720 : i32
      %swap3A_722 = arith.constant 15 : i32
      %swap3A_723 = arith.index_cast %swap3A_722 : i32 to index
      %swap3A_724 = arith.index_cast %add3A_721 : i32 to index
      %swap3A_725 = tpu.vector_load %arg7[%swap3A_723, %swap3A_724] {strides = array<i32>} : memref<32x512xf32, #tpu.memory_space<vmem>>, vector<16xf32>,
      tpu.vector_store %arg7[%swap3A_723, %swap3A_724], %gather3A_719 {strides = array<i32>} : memref<32x512xf32, #tpu.memory_space<vmem>>, vector<16xf32>,
      %mul3A_726 = arith.constant 0 : i32
      %mul3A_727 = vector.broadcast %mul3A_726 : i32 to vector<16xi32>
      %mul3A_728 = arith.muli %iota3A, %mul3A_727 : vector<16xi32>
      %add3A_729 = arith.constant 16 : i32
      %add3A_730 = vector.broadcast %add3A_729 : i32 to vector<16xi32>
      %add3A_731 = arith.addi %mul3A_728, %add3A_730 : vector<16xi32>
      %gather3A_732 = tpu.vector_load_idx %arg6[%add3A_280, %add3A_731, %and3A_277] : memref<16x32x128xf32, #tpu.memory_space<vmem>>[vector<16xi32>, vector<16xi32>, vector<16xi32>], vector<16xf32>,
      %add3A_733 = arith.constant 0 : i32
      %add3A_734 = arith.addi %mul3A_12, %add3A_733 : i32
      %swap3A_735 = arith.constant 16 : i32
      %swap3A_736 = arith.index_cast %swap3A_735 : i32 to index
      %swap3A_737 = arith.index_cast %add3A_734 : i32 to index
      %swap3A_738 = tpu.vector_load %arg7[%swap3A_736, %swap3A_737] {strides = array<i32>} : memref<32x512xf32, #tpu.memory_space<vmem>>, vector<16xf32>,
      tpu.vector_store %arg7[%swap3A_736, %swap3A_737], %gather3A_732 {strides = array<i32>} : memref<32x512xf32, #tpu.memory_space<vmem>>, vector<16xf32>,
      %mul3A_739 = arith.constant 0 : i32
      %mul3A_740 = vector.broadcast %mul3A_739 : i32 to vector<16xi32>
      %mul3A_741 = arith.muli %iota3A, %mul3A_740 : vector<16xi32>
      %add3A_742 = arith.constant 17 : i32
      %add3A_743 = vector.broadcast %add3A_742 : i32 to vector<16xi32>
      %add3A_744 = arith.addi %mul3A_741, %add3A_743 : vector<16xi32>
      %gather3A_745 = tpu.vector_load_idx %arg6[%add3A_280, %add3A_744, %and3A_277] : memref<16x32x128xf32, #tpu.memory_space<vmem>>[vector<16xi32>, vector<16xi32>, vector<16xi32>], vector<16xf32>,
      %add3A_746 = arith.constant 0 : i32
      %add3A_747 = arith.addi %mul3A_12, %add3A_746 : i32
      %swap3A_748 = arith.constant 17 : i32
      %swap3A_749 = arith.index_cast %swap3A_748 : i32 to index
      %swap3A_750 = arith.index_cast %add3A_747 : i32 to index
      %swap3A_751 = tpu.vector_load %arg7[%swap3A_749, %swap3A_750] {strides = array<i32>} : memref<32x512xf32, #tpu.memory_space<vmem>>, vector<16xf32>,
      tpu.vector_store %arg7[%swap3A_749, %swap3A_750], %gather3A_745 {strides = array<i32>} : memref<32x512xf32, #tpu.memory_space<vmem>>, vector<16xf32>,
      %mul3A_752 = arith.constant 0 : i32
      %mul3A_753 = vector.broadcast %mul3A_752 : i32 to vector<16xi32>
      %mul3A_754 = arith.muli %iota3A, %mul3A_753 : vector<16xi32>
      %add3A_755 = arith.constant 18 : i32
      %add3A_756 = vector.broadcast %add3A_755 : i32 to vector<16xi32>
      %add3A_757 = arith.addi %mul3A_754, %add3A_756 : vector<16xi32>
      %gather3A_758 = tpu.vector_load_idx %arg6[%add3A_280, %add3A_757, %and3A_277] : memref<16x32x128xf32, #tpu.memory_space<vmem>>[vector<16xi32>, vector<16xi32>, vector<16xi32>], vector<16xf32>,
      %add3A_759 = arith.constant 0 : i32
      %add3A_760 = arith.addi %mul3A_12, %add3A_759 : i32
      %swap3A_761 = arith.constant 18 : i32
      %swap3A_762 = arith.index_cast %swap3A_761 : i32 to index
      %swap3A_763 = arith.index_cast %add3A_760 : i32 to index
      %swap3A_764 = tpu.vector_load %arg7[%swap3A_762, %swap3A_763] {strides = array<i32>} : memref<32x512xf32, #tpu.memory_space<vmem>>, vector<16xf32>,
      tpu.vector_store %arg7[%swap3A_762, %swap3A_763], %gather3A_758 {strides = array<i32>} : memref<32x512xf32, #tpu.memory_space<vmem>>, vector<16xf32>,
      %mul3A_765 = arith.constant 0 : i32
      %mul3A_766 = vector.broadcast %mul3A_765 : i32 to vector<16xi32>
      %mul3A_767 = arith.muli %iota3A, %mul3A_766 : vector<16xi32>
      %add3A_768 = arith.constant 19 : i32
      %add3A_769 = vector.broadcast %add3A_768 : i32 to vector<16xi32>
      %add3A_770 = arith.addi %mul3A_767, %add3A_769 : vector<16xi32>
      %gather3A_771 = tpu.vector_load_idx %arg6[%add3A_280, %add3A_770, %and3A_277] : memref<16x32x128xf32, #tpu.memory_space<vmem>>[vector<16xi32>, vector<16xi32>, vector<16xi32>], vector<16xf32>,
      %add3A_772 = arith.constant 0 : i32
      %add3A_773 = arith.addi %mul3A_12, %add3A_772 : i32
      %swap3A_774 = arith.constant 19 : i32
      %swap3A_775 = arith.index_cast %swap3A_774 : i32 to index
      %swap3A_776 = arith.index_cast %add3A_773 : i32 to index
      %swap3A_777 = tpu.vector_load %arg7[%swap3A_775, %swap3A_776] {strides = array<i32>} : memref<32x512xf32, #tpu.memory_space<vmem>>, vector<16xf32>,
      tpu.vector_store %arg7[%swap3A_775, %swap3A_776], %gather3A_771 {strides = array<i32>} : memref<32x512xf32, #tpu.memory_space<vmem>>, vector<16xf32>,
      %mul3A_778 = arith.constant 0 : i32
      %mul3A_779 = vector.broadcast %mul3A_778 : i32 to vector<16xi32>
      %mul3A_780 = arith.muli %iota3A, %mul3A_779 : vector<16xi32>
      %add3A_781 = arith.constant 20 : i32
      %add3A_782 = vector.broadcast %add3A_781 : i32 to vector<16xi32>
      %add3A_783 = arith.addi %mul3A_780, %add3A_782 : vector<16xi32>
      %gather3A_784 = tpu.vector_load_idx %arg6[%add3A_280, %add3A_783, %and3A_277] : memref<16x32x128xf32, #tpu.memory_space<vmem>>[vector<16xi32>, vector<16xi32>, vector<16xi32>], vector<16xf32>,
      %add3A_785 = arith.constant 0 : i32
      %add3A_786 = arith.addi %mul3A_12, %add3A_785 : i32
      %swap3A_787 = arith.constant 20 : i32
      %swap3A_788 = arith.index_cast %swap3A_787 : i32 to index
      %swap3A_789 = arith.index_cast %add3A_786 : i32 to index
      %swap3A_790 = tpu.vector_load %arg7[%swap3A_788, %swap3A_789] {strides = array<i32>} : memref<32x512xf32, #tpu.memory_space<vmem>>, vector<16xf32>,
      tpu.vector_store %arg7[%swap3A_788, %swap3A_789], %gather3A_784 {strides = array<i32>} : memref<32x512xf32, #tpu.memory_space<vmem>>, vector<16xf32>,
      %mul3A_791 = arith.constant 0 : i32
      %mul3A_792 = vector.broadcast %mul3A_791 : i32 to vector<16xi32>
      %mul3A_793 = arith.muli %iota3A, %mul3A_792 : vector<16xi32>
      %add3A_794 = arith.constant 21 : i32
      %add3A_795 = vector.broadcast %add3A_794 : i32 to vector<16xi32>
      %add3A_796 = arith.addi %mul3A_793, %add3A_795 : vector<16xi32>
      %gather3A_797 = tpu.vector_load_idx %arg6[%add3A_280, %add3A_796, %and3A_277] : memref<16x32x128xf32, #tpu.memory_space<vmem>>[vector<16xi32>, vector<16xi32>, vector<16xi32>], vector<16xf32>,
      %add3A_798 = arith.constant 0 : i32
      %add3A_799 = arith.addi %mul3A_12, %add3A_798 : i32
      %swap3A_800 = arith.constant 21 : i32
      %swap3A_801 = arith.index_cast %swap3A_800 : i32 to index
      %swap3A_802 = arith.index_cast %add3A_799 : i32 to index
      %swap3A_803 = tpu.vector_load %arg7[%swap3A_801, %swap3A_802] {strides = array<i32>} : memref<32x512xf32, #tpu.memory_space<vmem>>, vector<16xf32>,
      tpu.vector_store %arg7[%swap3A_801, %swap3A_802], %gather3A_797 {strides = array<i32>} : memref<32x512xf32, #tpu.memory_space<vmem>>, vector<16xf32>,
      %mul3A_804 = arith.constant 0 : i32
      %mul3A_805 = vector.broadcast %mul3A_804 : i32 to vector<16xi32>
      %mul3A_806 = arith.muli %iota3A, %mul3A_805 : vector<16xi32>
      %add3A_807 = arith.constant 22 : i32
      %add3A_808 = vector.broadcast %add3A_807 : i32 to vector<16xi32>
      %add3A_809 = arith.addi %mul3A_806, %add3A_808 : vector<16xi32>
      %gather3A_810 = tpu.vector_load_idx %arg6[%add3A_280, %add3A_809, %and3A_277] : memref<16x32x128xf32, #tpu.memory_space<vmem>>[vector<16xi32>, vector<16xi32>, vector<16xi32>], vector<16xf32>,
      %add3A_811 = arith.constant 0 : i32
      %add3A_812 = arith.addi %mul3A_12, %add3A_811 : i32
      %swap3A_813 = arith.constant 22 : i32
      %swap3A_814 = arith.index_cast %swap3A_813 : i32 to index
      %swap3A_815 = arith.index_cast %add3A_812 : i32 to index
      %swap3A_816 = tpu.vector_load %arg7[%swap3A_814, %swap3A_815] {strides = array<i32>} : memref<32x512xf32, #tpu.memory_space<vmem>>, vector<16xf32>,
      tpu.vector_store %arg7[%swap3A_814, %swap3A_815], %gather3A_810 {strides = array<i32>} : memref<32x512xf32, #tpu.memory_space<vmem>>, vector<16xf32>,
      %mul3A_817 = arith.constant 0 : i32
      %mul3A_818 = vector.broadcast %mul3A_817 : i32 to vector<16xi32>
      %mul3A_819 = arith.muli %iota3A, %mul3A_818 : vector<16xi32>
      %add3A_820 = arith.constant 23 : i32
      %add3A_821 = vector.broadcast %add3A_820 : i32 to vector<16xi32>
      %add3A_822 = arith.addi %mul3A_819, %add3A_821 : vector<16xi32>
      %gather3A_823 = tpu.vector_load_idx %arg6[%add3A_280, %add3A_822, %and3A_277] : memref<16x32x128xf32, #tpu.memory_space<vmem>>[vector<16xi32>, vector<16xi32>, vector<16xi32>], vector<16xf32>,
      %add3A_824 = arith.constant 0 : i32
      %add3A_825 = arith.addi %mul3A_12, %add3A_824 : i32
      %swap3A_826 = arith.constant 23 : i32
      %swap3A_827 = arith.index_cast %swap3A_826 : i32 to index
      %swap3A_828 = arith.index_cast %add3A_825 : i32 to index
      %swap3A_829 = tpu.vector_load %arg7[%swap3A_827, %swap3A_828] {strides = array<i32>} : memref<32x512xf32, #tpu.memory_space<vmem>>, vector<16xf32>,
      tpu.vector_store %arg7[%swap3A_827, %swap3A_828], %gather3A_823 {strides = array<i32>} : memref<32x512xf32, #tpu.memory_space<vmem>>, vector<16xf32>,
      %mul3A_830 = arith.constant 0 : i32
      %mul3A_831 = vector.broadcast %mul3A_830 : i32 to vector<16xi32>
      %mul3A_832 = arith.muli %iota3A, %mul3A_831 : vector<16xi32>
      %add3A_833 = arith.constant 24 : i32
      %add3A_834 = vector.broadcast %add3A_833 : i32 to vector<16xi32>
      %add3A_835 = arith.addi %mul3A_832, %add3A_834 : vector<16xi32>
      %gather3A_836 = tpu.vector_load_idx %arg6[%add3A_280, %add3A_835, %and3A_277] : memref<16x32x128xf32, #tpu.memory_space<vmem>>[vector<16xi32>, vector<16xi32>, vector<16xi32>], vector<16xf32>,
      %add3A_837 = arith.constant 0 : i32
      %add3A_838 = arith.addi %mul3A_12, %add3A_837 : i32
      %swap3A_839 = arith.constant 24 : i32
      %swap3A_840 = arith.index_cast %swap3A_839 : i32 to index
      %swap3A_841 = arith.index_cast %add3A_838 : i32 to index
      %swap3A_842 = tpu.vector_load %arg7[%swap3A_840, %swap3A_841] {strides = array<i32>} : memref<32x512xf32, #tpu.memory_space<vmem>>, vector<16xf32>,
      tpu.vector_store %arg7[%swap3A_840, %swap3A_841], %gather3A_836 {strides = array<i32>} : memref<32x512xf32, #tpu.memory_space<vmem>>, vector<16xf32>,
      %mul3A_843 = arith.constant 0 : i32
      %mul3A_844 = vector.broadcast %mul3A_843 : i32 to vector<16xi32>
      %mul3A_845 = arith.muli %iota3A, %mul3A_844 : vector<16xi32>
      %add3A_846 = arith.constant 25 : i32
      %add3A_847 = vector.broadcast %add3A_846 : i32 to vector<16xi32>
      %add3A_848 = arith.addi %mul3A_845, %add3A_847 : vector<16xi32>
      %gather3A_849 = tpu.vector_load_idx %arg6[%add3A_280, %add3A_848, %and3A_277] : memref<16x32x128xf32, #tpu.memory_space<vmem>>[vector<16xi32>, vector<16xi32>, vector<16xi32>], vector<16xf32>,
      %add3A_850 = arith.constant 0 : i32
      %add3A_851 = arith.addi %mul3A_12, %add3A_850 : i32
      %swap3A_852 = arith.constant 25 : i32
      %swap3A_853 = arith.index_cast %swap3A_852 : i32 to index
      %swap3A_854 = arith.index_cast %add3A_851 : i32 to index
      %swap3A_855 = tpu.vector_load %arg7[%swap3A_853, %swap3A_854] {strides = array<i32>} : memref<32x512xf32, #tpu.memory_space<vmem>>, vector<16xf32>,
      tpu.vector_store %arg7[%swap3A_853, %swap3A_854], %gather3A_849 {strides = array<i32>} : memref<32x512xf32, #tpu.memory_space<vmem>>, vector<16xf32>,
      %mul3A_856 = arith.constant 0 : i32
      %mul3A_857 = vector.broadcast %mul3A_856 : i32 to vector<16xi32>
      %mul3A_858 = arith.muli %iota3A, %mul3A_857 : vector<16xi32>
      %add3A_859 = arith.constant 26 : i32
      %add3A_860 = vector.broadcast %add3A_859 : i32 to vector<16xi32>
      %add3A_861 = arith.addi %mul3A_858, %add3A_860 : vector<16xi32>
      %gather3A_862 = tpu.vector_load_idx %arg6[%add3A_280, %add3A_861, %and3A_277] : memref<16x32x128xf32, #tpu.memory_space<vmem>>[vector<16xi32>, vector<16xi32>, vector<16xi32>], vector<16xf32>,
      %add3A_863 = arith.constant 0 : i32
      %add3A_864 = arith.addi %mul3A_12, %add3A_863 : i32
      %swap3A_865 = arith.constant 26 : i32
      %swap3A_866 = arith.index_cast %swap3A_865 : i32 to index
      %swap3A_867 = arith.index_cast %add3A_864 : i32 to index
      %swap3A_868 = tpu.vector_load %arg7[%swap3A_866, %swap3A_867] {strides = array<i32>} : memref<32x512xf32, #tpu.memory_space<vmem>>, vector<16xf32>,
      tpu.vector_store %arg7[%swap3A_866, %swap3A_867], %gather3A_862 {strides = array<i32>} : memref<32x512xf32, #tpu.memory_space<vmem>>, vector<16xf32>,
      %mul3A_869 = arith.constant 0 : i32
      %mul3A_870 = vector.broadcast %mul3A_869 : i32 to vector<16xi32>
      %mul3A_871 = arith.muli %iota3A, %mul3A_870 : vector<16xi32>
      %add3A_872 = arith.constant 27 : i32
      %add3A_873 = vector.broadcast %add3A_872 : i32 to vector<16xi32>
      %add3A_874 = arith.addi %mul3A_871, %add3A_873 : vector<16xi32>
      %gather3A_875 = tpu.vector_load_idx %arg6[%add3A_280, %add3A_874, %and3A_277] : memref<16x32x128xf32, #tpu.memory_space<vmem>>[vector<16xi32>, vector<16xi32>, vector<16xi32>], vector<16xf32>,
      %add3A_876 = arith.constant 0 : i32
      %add3A_877 = arith.addi %mul3A_12, %add3A_876 : i32
      %swap3A_878 = arith.constant 27 : i32
      %swap3A_879 = arith.index_cast %swap3A_878 : i32 to index
      %swap3A_880 = arith.index_cast %add3A_877 : i32 to index
      %swap3A_881 = tpu.vector_load %arg7[%swap3A_879, %swap3A_880] {strides = array<i32>} : memref<32x512xf32, #tpu.memory_space<vmem>>, vector<16xf32>,
      tpu.vector_store %arg7[%swap3A_879, %swap3A_880], %gather3A_875 {strides = array<i32>} : memref<32x512xf32, #tpu.memory_space<vmem>>, vector<16xf32>,
      %mul3A_882 = arith.constant 0 : i32
      %mul3A_883 = vector.broadcast %mul3A_882 : i32 to vector<16xi32>
      %mul3A_884 = arith.muli %iota3A, %mul3A_883 : vector<16xi32>
      %add3A_885 = arith.constant 28 : i32
      %add3A_886 = vector.broadcast %add3A_885 : i32 to vector<16xi32>
      %add3A_887 = arith.addi %mul3A_884, %add3A_886 : vector<16xi32>
      %gather3A_888 = tpu.vector_load_idx %arg6[%add3A_280, %add3A_887, %and3A_277] : memref<16x32x128xf32, #tpu.memory_space<vmem>>[vector<16xi32>, vector<16xi32>, vector<16xi32>], vector<16xf32>,
      %add3A_889 = arith.constant 0 : i32
      %add3A_890 = arith.addi %mul3A_12, %add3A_889 : i32
      %swap3A_891 = arith.constant 28 : i32
      %swap3A_892 = arith.index_cast %swap3A_891 : i32 to index
      %swap3A_893 = arith.index_cast %add3A_890 : i32 to index
      %swap3A_894 = tpu.vector_load %arg7[%swap3A_892, %swap3A_893] {strides = array<i32>} : memref<32x512xf32, #tpu.memory_space<vmem>>, vector<16xf32>,
      tpu.vector_store %arg7[%swap3A_892, %swap3A_893], %gather3A_888 {strides = array<i32>} : memref<32x512xf32, #tpu.memory_space<vmem>>, vector<16xf32>,
      %mul3A_895 = arith.constant 0 : i32
      %mul3A_896 = vector.broadcast %mul3A_895 : i32 to vector<16xi32>
      %mul3A_897 = arith.muli %iota3A, %mul3A_896 : vector<16xi32>
      %add3A_898 = arith.constant 29 : i32
      %add3A_899 = vector.broadcast %add3A_898 : i32 to vector<16xi32>
      %add3A_900 = arith.addi %mul3A_897, %add3A_899 : vector<16xi32>
      %gather3A_901 = tpu.vector_load_idx %arg6[%add3A_280, %add3A_900, %and3A_277] : memref<16x32x128xf32, #tpu.memory_space<vmem>>[vector<16xi32>, vector<16xi32>, vector<16xi32>], vector<16xf32>,
      %add3A_902 = arith.constant 0 : i32
      %add3A_903 = arith.addi %mul3A_12, %add3A_902 : i32
      %swap3A_904 = arith.constant 29 : i32
      %swap3A_905 = arith.index_cast %swap3A_904 : i32 to index
      %swap3A_906 = arith.index_cast %add3A_903 : i32 to index
      %swap3A_907 = tpu.vector_load %arg7[%swap3A_905, %swap3A_906] {strides = array<i32>} : memref<32x512xf32, #tpu.memory_space<vmem>>, vector<16xf32>,
      tpu.vector_store %arg7[%swap3A_905, %swap3A_906], %gather3A_901 {strides = array<i32>} : memref<32x512xf32, #tpu.memory_space<vmem>>, vector<16xf32>,
      %mul3A_908 = arith.constant 0 : i32
      %mul3A_909 = vector.broadcast %mul3A_908 : i32 to vector<16xi32>
      %mul3A_910 = arith.muli %iota3A, %mul3A_909 : vector<16xi32>
      %add3A_911 = arith.constant 30 : i32
      %add3A_912 = vector.broadcast %add3A_911 : i32 to vector<16xi32>
      %add3A_913 = arith.addi %mul3A_910, %add3A_912 : vector<16xi32>
      %gather3A_914 = tpu.vector_load_idx %arg6[%add3A_280, %add3A_913, %and3A_277] : memref<16x32x128xf32, #tpu.memory_space<vmem>>[vector<16xi32>, vector<16xi32>, vector<16xi32>], vector<16xf32>,
      %add3A_915 = arith.constant 0 : i32
      %add3A_916 = arith.addi %mul3A_12, %add3A_915 : i32
      %swap3A_917 = arith.constant 30 : i32
      %swap3A_918 = arith.index_cast %swap3A_917 : i32 to index
      %swap3A_919 = arith.index_cast %add3A_916 : i32 to index
      %swap3A_920 = tpu.vector_load %arg7[%swap3A_918, %swap3A_919] {strides = array<i32>} : memref<32x512xf32, #tpu.memory_space<vmem>>, vector<16xf32>,
      tpu.vector_store %arg7[%swap3A_918, %swap3A_919], %gather3A_914 {strides = array<i32>} : memref<32x512xf32, #tpu.memory_space<vmem>>, vector<16xf32>,
      %mul3A_921 = arith.constant 0 : i32
      %mul3A_922 = vector.broadcast %mul3A_921 : i32 to vector<16xi32>
      %mul3A_923 = arith.muli %iota3A, %mul3A_922 : vector<16xi32>
      %add3A_924 = arith.constant 31 : i32
      %add3A_925 = vector.broadcast %add3A_924 : i32 to vector<16xi32>
      %add3A_926 = arith.addi %mul3A_923, %add3A_925 : vector<16xi32>
      %gather3A_927 = tpu.vector_load_idx %arg6[%add3A_280, %add3A_926, %and3A_277] : memref<16x32x128xf32, #tpu.memory_space<vmem>>[vector<16xi32>, vector<16xi32>, vector<16xi32>], vector<16xf32>,
      %add3A_928 = arith.constant 0 : i32
      %add3A_929 = arith.addi %mul3A_12, %add3A_928 : i32
      %swap3A_930 = arith.constant 31 : i32
      %swap3A_931 = arith.index_cast %swap3A_930 : i32 to index
      %swap3A_932 = arith.index_cast %add3A_929 : i32 to index
      %swap3A_933 = tpu.vector_load %arg7[%swap3A_931, %swap3A_932] {strides = array<i32>} : memref<32x512xf32, #tpu.memory_space<vmem>>, vector<16xf32>,
      tpu.vector_store %arg7[%swap3A_931, %swap3A_932], %gather3A_927 {strides = array<i32>} : memref<32x512xf32, #tpu.memory_space<vmem>>, vector<16xf32>,
      %scan3A_934 = arith.constant 0 : i32
      scf.yield %scan3A_934 : i32
    }
    %scan3A_8 = arith.constant 32 : i32
    "tpu.region"() ({
      %run_scoped3A = tpu.sem_alloc : memref<!tpu.dma_semaphore, #tpu.memory_space<semaphore_mem>>
      %dma_start3A = arith.constant 0 : i32
      %dma_start3A_9 = tpu.memref_slice %arg4[%dma_start3A, %mul3A_2] : memref<32x16384xf32, #tpu.memory_space<hbm>> -> memref<32x512xf32, #tpu.memory_space<hbm>>
      %dma_start3A_10 = arith.constant 0 : i32
      %dma_start3A_11 = tpu.memref_slice %arg4[%dma_start3A_10, %mul3A_2] : memref<32x16384xf32, #tpu.memory_space<hbm>> -> memref<32x512xf32, #tpu.memory_space<hbm>>
      tpu.enqueue_dma source(%arg7 : memref<32x512xf32, #tpu.memory_space<vmem>>) target(%dma_start3A_11 : memref<32x512xf32, #tpu.memory_space<hbm>>) target_semaphore(%run_scoped3A : memref<!tpu.dma_semaphore, #tpu.memory_space<semaphore_mem>>)
      %dma_wait3A = arith.constant 0 : i32
      %dma_wait3A_12 = tpu.memref_slice %arg4[%dma_wait3A, %mul3A_2] : memref<32x16384xf32, #tpu.memory_space<hbm>> -> memref<32x512xf32, #tpu.memory_space<hbm>>
      %dma_wait3A_13 = arith.constant 0 : i32
      %dma_wait3A_14 = tpu.memref_slice %arg4[%dma_wait3A_13, %mul3A_2] : memref<32x16384xf32, #tpu.memory_space<hbm>> -> memref<32x512xf32, #tpu.memory_space<hbm>>
      tpu.wait_dma2 semaphore(%run_scoped3A : memref<!tpu.dma_semaphore, #tpu.memory_space<semaphore_mem>>) src(%arg7 : memref<32x512xf32, #tpu.memory_space<vmem>>) dst(%dma_wait3A_14 : memref<32x512xf32, #tpu.memory_space<hbm>>)
      tpu.yield
    }) : () -> ()
    return
  }
}

</mosaic_0001>

<sc_bundles>
// kernel: kernel.3.cloned.1.call-start
scs
__scs_entry_jumppad:
0x0: {  	(pc) =	sbr.rel $0x88, $3  }
0x1: {  	(tag) =	ssettag $0x0;
	lr =	simm.s32 $0x1  }
0x2: {  	[smem:$0x3F9F] =	sst lr;
	_ =	strace $0xD0000000  }
0x3: {  	_ = 	snop  }
0x4: {  	_ = 	snop  }
0x5: {  	_ = 	snop  }
0x6: {  	_ = 	snop  }
0x7: {  	_ = 	snop  }
__scs_overlays_trampoline_lowered:
0x8: {  	[smem:$0x3FAE] =	sst s0  }
0x9: {  	[smem:$0x3FAF] =	sst s1  }
0xa: {  	[smem:$0x3FB0] =	sst s2  }
0xb: {  	[smem:$0x3FB1] =	sst s3  }
0xc: {  	[smem:$0x3FB2] =	sst s4  }
0xd: {  	[smem:$0x3FB3] =	sst s5  }
0xe: {  	[smem:$0x3FB4] =	sst s6  }
0xf: {  	[smem:$0x3FB5] =	sst s7  }
0x10: {  	[smem:$0x3FB6] =	sst s8  }
0x11: {  	[smem:$0x3FB7] =	sst s9;
	s0 =	simm.s32 @!p0 $0x0  }
0x12: {  	s1 =	sld [smem:$0x3F9D];
	s0 =	simm.s32 @p0 $0x1  }
0x13: {  	[smem:$0x3FB8] =	sst s0;
	s0 =	simm.s32 @!p1 $0x0  }
0x14: {  	s2 =	sld [smem:$0x3F9C];
	s0 =	simm.s32 @p1 $0x1  }
0x15: {  	[smem:$0x3FB9] =	sst s0;
	s0 =	simm.s32 @!p2 $0x0  }
0x16: {  	s3 =	sld [smem:$0x3FDB];
	s0 =	simm.s32 @p2 $0x1  }
0x17: {  	s4 =	simm.s32 $0x1BF5;
	[smem:$0x3FBB] =	sst s0  }
0x18: {  	s0 =	sld [smem:$0x3F9E];
	_ =	swait.ge [sflag:s4], $0x0  }
0x19: {  	s7 =	sld [smem:$0x3F9F]  }
0x1a: {  	s8 =	sadd.s32 $0xFFFFE003, lr  }
0x1b: {  	s9 =	sadd.s32 $0xFFFFFEF7, lr;
	s5 =	simm.s32 $0xFFFFFFFF;
	p2 =	slt.u32 s8, $0xFFFFF086  }
0x1c: {  	p1 =	slt.u32 s9, $0xF7A;
	s5 =	simm.s32 @!p2 $0x0  }
0x1d: {  	s5 =	simm.s32 @p1 $0x1;
	p0 =	seq.s32 s7, s2  }
0x1e: {  	s7 =	smul.u32 @!p0 $0xF7A, s2;
	p2 =	seq.s32 @!p0 s5, $0x0  }
0x1f: {  	s9 =	smul.u32 $0xF7A, s1;
	s8 =	simm.s32 @!p0 $0x1BF5;
	p2 =	por !p2, p0  }
0x20: {  	[sflag:s8] =	ssyncset.s32 @!p0 $0xFFFFF086;
	s6 =	sadd.s32 @!p0 s3, s7;
	s7 =	simm.s32 @!p0 $0x108  }
0x21: {  	s3 =	sadd.s32 s3, s9;
	s6 =	sadd.s32 @!p0 $0x88, s6;
	s7 =	simm.s32 @p2 $0x1082  }
0x22: {  	[simem:s7], [sflag:s8] =	dma.local @!p0 [hbm:s6], $0xF7A  }
0x23: {  	s9 =	sor.u32 $0xD0000000, s2;
	s6 =	simm.s32 $0x108;
	_ =	swait.ge @!p0 [sflag:s8], $0x0  }
0x24: {  	s3 =	sadd.s32 $0x88, s3;
	s6 =	simm.s32 @!p1 $0x1082;
	[sflag:s4] =	ssyncset.s32 $0xFFFFF086  }
0x25: {  	[simem:s6], [sflag:s4] =	dma.local [hbm:s3], $0xF7A  }
0x26: {  	[smem:$0x3F9F] =	sst s1;
	(tag) =	ssettag s2;
	_ =	strace s9  }
0x27: {  	s1 =	sld [smem:$0x3FAF]  }
0x28: {  	s2 =	sld [smem:$0x3FB0]  }
0x29: {  	s4 =	sld [smem:$0x3FB2]  }
0x2a: {  	p0 =	seq.s32 s5, $0x0;
	s5 =	sld [smem:$0x3FB3]  }
0x2b: {  	s6 =	sld [smem:$0x3FB4]  }
0x2c: {  	s7 =	sld [smem:$0x3FB5]  }
0x2d: {  	s3 =	simm.s32 $0x108;
	s8 =	sld [smem:$0x3FB6]  }
0x2e: {  	s3 =	simm.s32 @!p0 $0x1082;
	s9 =	sld [smem:$0x3FB7]  }
0x2f: {  	lr =	sadd.s32 s0, s3;
	s0 =	sld [smem:$0x3FAE]  }
0x30: {  	s3 =	sld [smem:$0x3FB1]  }
0x31: {  	[smem:$0x3FBA] =	sst s10  }
0x32: {  	s10 =	sld [smem:$0x3FB8];
	_ =	sdelay $0x3  }
0x33: {  	p0 =	seq.s32 s10, $0x1;
	s10 =	sld [smem:$0x3FBA];
	_ =	sdelay $0x3  }
0x34: {  	[smem:$0x3FBA] =	sst s10  }
0x35: {  	s10 =	sld [smem:$0x3FB9];
	_ =	sdelay $0x3  }
0x36: {  	p1 =	seq.s32 s10, $0x1;
	s10 =	sld [smem:$0x3FBA];
	_ =	sdelay $0x3  }
0x37: {  	[smem:$0x3FBA] =	sst s10  }
0x38: {  	s10 =	sld [smem:$0x3FBB]  }
0x39: {  	_ = 	snop;
	(pc) =	sbr.ind lr, $3  }
0x3a: {  	_ = 	snop  }
0x3b: {  	_ = 	snop  }
0x3c: {  	p2 =	seq.s32 s10, $0x1;
	s10 =	sld [smem:$0x3FBA]  }
0x3d: {  	_ =	shalt  }
0x3e: {  	_ =	shalt  }
0x3f: {  	_ =	shalt  }
0x40: {  	_ =	shalt  }
0x41: {  	_ =	shalt  }
0x42: {  	_ =	shalt  }
0x43: {  	_ =	shalt  }
0x44: {  	_ =	shalt  }
0x45: {  	_ =	shalt  }
0x46: {  	_ =	shalt  }
0x47: {  	_ =	shalt  }
0x48: {  	_ =	shalt  }
0x49: {  	_ =	shalt  }
0x4a: {  	_ =	shalt  }
0x4b: {  	_ =	shalt  }
0x4c: {  	_ =	shalt  }
0x4d: {  	_ =	shalt  }
0x4e: {  	_ =	shalt  }
0x4f: {  	_ =	shalt  }
0x50: {  	_ =	shalt  }
0x51: {  	_ =	shalt  }
0x52: {  	_ =	shalt  }
0x53: {  	_ =	shalt  }
0x54: {  	_ =	shalt  }
0x55: {  	_ =	shalt  }
0x56: {  	_ =	shalt  }
0x57: {  	_ =	shalt  }
0x58: {  	_ =	shalt  }
0x59: {  	_ =	shalt  }
0x5a: {  	_ =	shalt  }
0x5b: {  	_ =	shalt  }
0x5c: {  	_ =	shalt  }
0x5d: {  	_ =	shalt  }
0x5e: {  	_ =	shalt  }
0x5f: {  	_ =	shalt  }
0x60: {  	_ =	shalt  }
0x61: {  	_ =	shalt  }
0x62: {  	_ =	shalt  }
0x63: {  	_ =	shalt  }
0x64: {  	_ =	shalt  }
0x65: {  	_ =	shalt  }
0x66: {  	_ =	shalt  }
0x67: {  	_ =	shalt  }
0x68: {  	_ =	shalt  }
0x69: {  	_ =	shalt  }
0x6a: {  	_ =	shalt  }
0x6b: {  	_ =	shalt  }
0x6c: {  	_ =	shalt  }
0x6d: {  	_ =	shalt  }
0x6e: {  	_ =	shalt  }
0x6f: {  	_ =	shalt  }
0x70: {  	_ =	shalt  }
0x71: {  	_ =	shalt  }
0x72: {  	_ =	shalt  }
0x73: {  	_ =	shalt  }
0x74: {  	_ =	shalt  }
0x75: {  	_ =	shalt  }
0x76: {  	_ =	shalt  }
0x77: {  	_ =	shalt  }
0x78: {  	_ =	shalt  }
0x79: {  	_ =	shalt  }
0x7a: {  	_ =	shalt  }
0x7b: {  	_ =	shalt  }
0x7c: {  	_ =	shalt  }
0x7d: {  	_ =	shalt  }
0x7e: {  	_ =	shalt  }
0x7f: {  	_ =	shalt  }
0x80: {  	_ =	shalt  }
0x81: {  	_ =	shalt  }
0x82: {  	_ =	shalt  }
0x83: {  	_ =	shalt  }
0x84: {  	_ =	shalt  }
0x85: {  	_ =	shalt  }
0x86: {  	_ =	shalt  }
0x87: {  	_ =	shalt  }
.Lfunc_end0:
.L_simem_size_0:
called_computation_lowered:
.L_overlay_start_0:
0x88: {  	s2 =	sld [smem:$0x3FD9]  }
0x89: {  	s3 =	sld [smem:$0x3FFE];
	_ =	sdelay $0x1  }
0x8a: {  	s1 =	srdreg.scid  }
0x8b: {  	s0 =	sand.u32 $0x1, s1  }
0x8c: {  	s18 =	sshll.u32 s0, $0xA;
	s2 =	sadd.s32 s3, s2  }
0x8d: {  	s2 =	sadd.s32 s2, s18  }
0x8e: {  	[smem:$0x3FC6] =	sst s2  }
0x8f: {  	_ = 	snop  }
0x90: {  	s2 =	sld [smem:$0x3FC9]  }
0x91: {  	s19 =	sld [smem:$0x3FC8]  }
0x92: {  	s4 =	sld [smem:$0x3FD0];
	(tm) =	ssettm $0x1  }
0x93: {  	s5 =	sld [smem:$0x3FFB];
	_ =	sdelay $0x3  }
0x94: {  	_ =	strace s5  }
0x95: {  	s5 =	sld [smem:$0x3FFC];
	_ =	sdelay $0x3  }
0x96: {  	_ =	strace s5  }
0x97: {  	s5 =	sld [smem:$0x3FFD];
	_ =	sdelay $0x3  }
0x98: {  	_ =	strace s5  }
0x99: {  	_ =	strace $0x8FFFFFFF  }
0x9a: {  	s20 =	sld [smem:$0x3FDB];
	_ =	sdelay $0x1  }
0x9b: {  	s6 =	simm.s32 $_scs_section_size  }
0x9c: {  	s7 =	simm.s32 $_size__tile_overlayer_lowered;
	s8 =	simm.s32 $_tile_overlayer_lowered  }
0x9d: {  	s23 =	simm.s32 $0x1BFF;
	s22 =	sshll.u32 s8, $0x1;
	s5 =	sadd.s32 s6, s20  }
0x9e: {  	s9 =	simm.s32 $0x0;
	s21 =	sshll.u32 s7, $0x1;
	s7 =	sadd.s32 s22, s5  }
0x9f: {  	[timem:s9], [sflag:s23] =	dma.local [hbm:s7], s21  }
0xa0: {  	_ =	swait.ge [sflag:s23], s21  }
0xa1: {  	s6 =	ssub.s32 $0x0, s21;
	[sflag:s23] =	ssyncset.done $0x0  }
0xa2: {  	[sflag:s23] =	ssyncadd.s32 s6;
	_ =	sdelay $0x1  }
0xa3: {  	s24 =	simm.s32 $0x1B8B  }
0xa4: {  	_ =	swait.ge [sflag:s24], $0x1  }
0xa5: {  	[sflag:s24] =	ssyncset.done $0x0  }
0xa6: {  	s25 =	simm.s32 $0x1B8E;
	[sflag:s24] =	ssyncadd.s32 $0xFFFFFFFF  }
0xa7: {  	s26 =	simm.s32 $execute0_lowered;
	[smem:$0x3FD2] =	sst s25  }
0xa8: {  	s6 =	sshll.u32 s26, $0x1;
	_ =	strace $0x80000046;
	[dreg:$0x1] =	wrdreg $0xFFFFFFFF  }
0xa9: {  	s28 =	simm.s32 $_size_execute0_lowered;
	s5 =	sadd.s32 s5, s6;
	[dreg:$0x0] =	wrdreg $0x0  }
0xaa: {  	s6 =	sshll.u32 s28, $0x1;
	[dreg:$0x2] =	wrdreg s5  }
0xab: {  	[dreg:$0x3] =	wrdreg s6  }
0xac: {  	[dreg:$0x4] =	wrdreg $0xC0  }
0xad: {  	_ =	task [dreg:s9], $0x5FFFF  }
0xae: {  	[dreg:$0x1] =	wrdreg $0xFFFFFFFF  }
0xaf: {  	[dreg:$0x0] =	wrdreg $0x60  }
0xb0: {  	[dreg:$0x2] =	wrdreg s2  }
0xb1: {  	[dreg:$0x3] =	wrdreg s19  }
0xb2: {  	[dreg:$0x4] =	wrdreg s4  }
0xb3: {  	[dreg:$0x5] =	wrdreg $0x9  }
0xb4: {  	_ =	task.clear_ibuf [dreg:s9], $0x6FFFF;
	_ =	strace $0x90000046  }
0xb5: {  	s29 =	simm.s32 $0x9;
	_ =	strace $0x80000048  }
0xb6: {  	_ =	swait.ge [sflag:s29], $0x1  }
0xb7: {  	[sflag:s29] =	ssyncadd.s32 $0xFFFFFFFF  }
0xb8: {  	_ =	strace $0x90000048  }
0xb9: {  	_ =	sfence  }
0xba: {  	s30 =	sld [smem:$0x0];
	_ =	sdelay $0x2  }
0xbb: {  	s31 =	sshll.u32 s1, $0xD;
	s1 =	sshrl.u32 s1, $0x2  }
0xbc: {  	s3 =	sand.u32 $0x4000, s31;
	s1 =	sadd.s32 s1, s30  }
0xbd: {  	s0 =	sor.u32 s3, s0;
	s1 =	sshll.u32 s1, $0x11  }
0xbe: {  	s0 =	sor.u32 s1, s0  }
0xbf: {  	s0 =	sadd.s32 $0x8F2B, s0  }
0xc0: {  	[sflag:s0] =	ssyncadd.remote.s32 $0x1  }
0xc1: {  	_ =	sfence.sel $0xFFFF  }
0xc2: {  	[dreg:$0x0] =	wrdreg $0xFFFFFFFF;
	(pc) =	sbr.abs _section_cstart, $3  }
0xc3: {  	[dreg:$0x1] =	wrdreg $0xFFFFFFFF  }
0xc4: {  	_ =	task.clear_ibuf [dreg:s9], $0x2FFFF;
	_ =	strace $0x9FFFFFFF  }
0xc5: {  	(tm) =	ssettm $0x7FFFFFFF  }
tec
execute0_lowered:
.L_overlay_start_1:
0x0: {  	(tag) =	ssettag $0x1  }
0x1: {  	s3 =	rddreg [dreg:$0x0]  }
0x2: {  	s0 =	rddreg [dreg:$0x1]  }
0x3: {  	s4 =	rddreg [dreg:$0x2];
	s1 =	simm.s32 $0x0;
	s2 =	srdreg.scid  }
0x4: {  	s8 =	simm.s32 $0x1200;
	s21 =	simm.s32 $0x2200;
	[dreg:$0x4] =	wrdreg s0  }
0x5: {  	s23 =	simm.s32 $0x3200;
	s24 =	simm.s32 $0x4200;
	s0 =	rddreg [dreg:$0x3]  }
0x6: {  	s25 =	simm.s32 $0x5200;
	s26 =	simm.s32 $0x6200;
	[smem:$0x7FF] =	sst s1  }
0x7: {  	v0 =	vlaneseq.u32;
	s28 =	simm.s32 $0x7200;
	_ =	strace $0x80000047;
	[dreg:$0x5] =	wrdreg s8  }
0x8: {  	s29 =	simm.s32 $0x8200;
	s30 =	simm.s32 $0x9200;
	v0 =	vmul.u32 $0x1000, v0;
	[dreg:$0x6] =	wrdreg s21  }
0x9: {  	s31 =	simm.s32 $0xA200;
	s10 =	simm.s32 $0xB200;
	[dreg:$0x7] =	wrdreg s23  }
0xa: {  	s9 =	simm.s32 $0x200;
	s11 =	simm.s32 $0xD200;
	[dreg:$0x8] =	wrdreg s24;
	v1 =	vor.u32 $0x80, v0  }
0xb: {  	s12 =	simm.s32 $0xE200;
	s13 =	simm.s32 $0xF200;
	[dreg:$0x9] =	wrdreg s25;
	v2 =	vor.u32 $0x100, v0;
	v3 =	vor.u32 $0x180, v0;
	v4 =	vor.u32 $0x200, v0  }
0xc: {  	s14 =	simm.s32 $0x1;
	s15 =	simm.s32 $0x1000;
	[dreg:$0xa] =	wrdreg s26;
	v5 =	vor.u32 $0x280, v0;
	v6 =	vor.u32 $0x300, v0;
	v7 =	vor.u32 $0x380, v0  }
0xd: {  	s16 =	simm.s32 $0x20000;
	s17 =	simm.s32 $0x10200;
	[dreg:$0xb] =	wrdreg s28;
	v8 =	vor.u32 $0x400, v0;
	v9 =	vor.u32 $0x480, v0;
	v10 =	vor.u32 $0x500, v0  }
0xe: {  	s18 =	simm.s32 $0x0;
	s5 =	sand.u32 $0x1, s2;
	[dreg:$0xc] =	wrdreg s29;
	v11 =	vor.u32 $0x580, v0;
	v12 =	vor.u32 $0x600, v0;
	v13 =	vor.u32 $0x680, v0  }
0xf: {  	s2 =	stileid.u32;
	s6 =	ssub.s32 $0x2, s5;
	[dreg:$0xd] =	wrdreg s30;
	v14 =	vor.u32 $0x700, v0;
	v15 =	vor.u32 $0x780, v0;
	v16 =	vor.u32 $0x800, v0  }
0x10: {  	s22 =	sshll.u32 s2, $0xA;
	s5 =	sshll.u32 s5, $0x9;
	[dreg:$0xe] =	wrdreg s31;
	v17 =	vor.u32 $0x880, v0;
	v18 =	vor.u32 $0x900, v0;
	v19 =	vor.u32 $0x980, v0  }
0x11: {  	[dreg:$0xf] =	wrdreg s10;
	s7 =	sshrl.u32 s6, $0x1;
	s5 =	sor.u32 s5, s22;
	v20 =	vor.u32 $0xA00, v0;
	v21 =	vor.u32 $0xA80, v0;
	v22 =	vor.u32 $0xB00, v0  }
0x12: {  	s10 =	simm.s32 $0xC200;
	v23 =	vor.u32 $0xB80, v0;
	v24 =	vor.u32 $0xC00, v0;
	v25 =	vor.u32 $0xC80, v0;
	s6 =	ssub.s32 s6, s7;
	s8 =	sshrl.u32 s5, $0x3  }
0x13: {  	v26 =	vor.u32 $0xD00, v0;
	v27 =	vor.u32 $0xD80, v0;
	v28 =	vor.u32 $0xE00, v0;
	s4 =	sadd.s32 s4, s5;
	s7 =	simm.s32 $0x400;
	s3 =	sadd.s32 s3, s8  }
0x14: {  	v29 =	vor.u32 $0xE80, v0;
	v30 =	vor.u32 $0xF00, v0;
	v31 =	vor.u32 $0xF80, v0;
	s5 =	smax.u32 s6, $0x1;
	s6 =	simm.s32 $0x2;
	s8 =	simm.s32 $0x7A1400  }
.LBB2_1:
0x15: {  	[tilespmem:s1], [sflag:$0x2] =	stream.linear.gather [hbm4b:s3+s1], $0x200, $0x38;
	[tilespmem:$0x14200] =	vst v63  }
0x16: {  	_ =	swait.ge [sflag:s6], $0x200  }
0x17: {  	s19 =	simm.s32 $0x0;
	[sflag:s6] =	ssyncset.done $0x0  }
0x18: {  	s20 =	simm.s32 $0x0;
	s21 =	simm.s32 $0x0;
	[sflag:s6] =	ssyncadd.s32 $0xFFFFFE00  }
.LBB2_2:
0x19: {  	v32 =	vld [tilespmem:s19+$0x0];
	_ =	sdelay $0x4  }
0x1a: {  	s22 =	rddreg [dreg:$0x4];
	v32 =	vand.u32 $0xFFFFFF80, v32  }
0x1b: {  	v32 =	vadd.s32 s22, v32  }
0x1c: {  	(v2sf) =	vpush v32, $0x0;
	_ =	sdelay $0x1  }
0x1d: {  	(v2sf) =	vpush v32, $0x1;
	_ =	sdelay $0x1  }
0x1e: {  	(v2sf) =	vpush v32, $0x2;
	_ =	sdelay $0x1  }
0x1f: {  	(v2sf) =	vpush v32, $0x3;
	_ =	sdelay $0x1  }
0x20: {  	(v2sf) =	vpush v32, $0x4;
	_ =	sdelay $0x1  }
0x21: {  	(v2sf) =	vpush v32, $0x5;
	_ =	sdelay $0x1  }
0x22: {  	(v2sf) =	vpush v32, $0x6;
	_ =	sdelay $0x1  }
0x23: {  	(v2sf) =	vpush v32, $0x7  }
0x24: {  	s30 =	spop (v2sf)  }
0x25: {  	(v2sf) =	vpush v32, $0x8;
	[tilespmem:s9], [sflag:$0x1] =	stream.strided.gather [hbm4b:s30+s7], $0x1000, s8, s7, $0x38;
	[tilespmem:$0x14200] =	vst v63  }
0x26: {  	s23 =	rddreg [dreg:$0x5];
	s31 =	spop (v2sf)  }
0x27: {  	(v2sf) =	vpush v32, $0x9;
	[tilespmem:s23], [sflag:$0x1] =	stream.strided.gather [hbm4b:s31+s7], $0x1000, s8, s7, $0x38;
	[tilespmem:$0x14200] =	vst v63  }
0x28: {  	s24 =	rddreg [dreg:$0x6];
	s25 =	spop (v2sf)  }
0x29: {  	(v2sf) =	vpush v32, $0xA;
	[tilespmem:s24], [sflag:$0x1] =	stream.strided.gather [hbm4b:s25+s7], $0x1000, s8, s7, $0x38;
	[tilespmem:$0x14200] =	vst v63  }
0x2a: {  	s26 =	rddreg [dreg:$0x7];
	s28 =	spop (v2sf)  }
0x2b: {  	(v2sf) =	vpush v32, $0xB;
	[tilespmem:s26], [sflag:$0x1] =	stream.strided.gather [hbm4b:s28+s7], $0x1000, s8, s7, $0x38;
	[tilespmem:$0x14200] =	vst v63  }
0x2c: {  	s29 =	rddreg [dreg:$0x8];
	s30 =	spop (v2sf)  }
0x2d: {  	(v2sf) =	vpush v32, $0xC;
	[tilespmem:s29], [sflag:$0x1] =	stream.strided.gather [hbm4b:s30+s7], $0x1000, s8, s7, $0x38;
	[tilespmem:$0x14200] =	vst v63  }
0x2e: {  	s31 =	rddreg [dreg:$0x9];
	s25 =	spop (v2sf)  }
0x2f: {  	(v2sf) =	vpush v32, $0xD;
	[tilespmem:s31], [sflag:$0x1] =	stream.strided.gather [hbm4b:s25+s7], $0x1000, s8, s7, $0x38;
	[tilespmem:$0x14200] =	vst v63  }
0x30: {  	s26 =	rddreg [dreg:$0xa];
	s28 =	spop (v2sf)  }
0x31: {  	(v2sf) =	vpush v32, $0xE;
	[tilespmem:s26], [sflag:$0x1] =	stream.strided.gather [hbm4b:s28+s7], $0x1000, s8, s7, $0x38;
	[tilespmem:$0x14200] =	vst v63  }
0x32: {  	s29 =	rddreg [dreg:$0xb];
	s30 =	spop (v2sf)  }
0x33: {  	(v2sf) =	vpush v32, $0xF;
	[tilespmem:s29], [sflag:$0x1] =	stream.strided.gather [hbm4b:s30+s7], $0x1000, s8, s7, $0x38;
	[tilespmem:$0x14200] =	vst v63  }
0x34: {  	s31 =	rddreg [dreg:$0xc];
	s23 =	spop (v2sf)  }
0x35: {  	[tilespmem:s31], [sflag:$0x1] =	stream.strided.gather [hbm4b:s23+s7], $0x1000, s8, s7, $0x38;
	[tilespmem:$0x14200] =	vst v63  }
0x36: {  	s25 =	rddreg [dreg:$0xd];
	s26 =	spop (v2sf)  }
0x37: {  	[tilespmem:s25], [sflag:$0x1] =	stream.strided.gather [hbm4b:s26+s7], $0x1000, s8, s7, $0x38;
	[tilespmem:$0x14200] =	vst v63  }
0x38: {  	s28 =	rddreg [dreg:$0xe];
	s29 =	spop (v2sf)  }
0x39: {  	[tilespmem:s28], [sflag:$0x1] =	stream.strided.gather [hbm4b:s29+s7], $0x1000, s8, s7, $0x38;
	[tilespmem:$0x14200] =	vst v63  }
0x3a: {  	s30 =	rddreg [dreg:$0xf];
	s31 =	spop (v2sf)  }
0x3b: {  	[tilespmem:s30], [sflag:$0x1] =	stream.strided.gather [hbm4b:s31+s7], $0x1000, s8, s7, $0x38;
	[tilespmem:$0x14200] =	vst v63  }
0x3c: {  	s24 =	spop (v2sf)  }
0x3d: {  	[tilespmem:s10], [sflag:$0x1] =	stream.strided.gather [hbm4b:s24+s7], $0x1000, s8, s7, $0x38;
	[tilespmem:$0x14200] =	vst v63  }
0x3e: {  	s25 =	spop (v2sf)  }
0x3f: {  	[tilespmem:s11], [sflag:$0x1] =	stream.strided.gather [hbm4b:s25+s7], $0x1000, s8, s7, $0x38;
	[tilespmem:$0x14200] =	vst v63  }
0x40: {  	s26 =	spop (v2sf)  }
0x41: {  	[tilespmem:s12], [sflag:$0x1] =	stream.strided.gather [hbm4b:s26+s7], $0x1000, s8, s7, $0x38;
	[tilespmem:$0x14200] =	vst v63  }
0x42: {  	s28 =	spop (v2sf)  }
0x43: {  	[tilespmem:s13], [sflag:$0x1] =	stream.strided.gather [hbm4b:s28+s7], $0x1000, s8, s7, $0x38;
	[tilespmem:$0x14200] =	vst v63  }
0x44: {  	v62 =	vld [tilespmem:s19+$0x0];
	_ =	swait.ge [sflag:s14], $0x1000  }
0x45: {  	[sflag:s14] =	ssyncset.done $0x0  }
0x46: {  	[sflag:s14] =	ssyncadd.s32 $0xFFFFF000  }
0x47: {  	_ =	swait.ge [sflag:s14], $0x1000  }
0x48: {  	[sflag:s14] =	ssyncset.done $0x0  }
0x49: {  	[sflag:s14] =	ssyncadd.s32 $0xFFFFF000  }
0x4a: {  	_ =	swait.ge [sflag:s14], $0x1000  }
0x4b: {  	[sflag:s14] =	ssyncset.done $0x0  }
0x4c: {  	[sflag:s14] =	ssyncadd.s32 $0xFFFFF000  }
0x4d: {  	_ =	swait.ge [sflag:s14], $0x1000  }
0x4e: {  	[sflag:s14] =	ssyncset.done $0x0  }
0x4f: {  	[sflag:s14] =	ssyncadd.s32 $0xFFFFF000  }
0x50: {  	_ =	swait.ge [sflag:s14], $0x1000  }
0x51: {  	[sflag:s14] =	ssyncset.done $0x0  }
0x52: {  	[sflag:s14] =	ssyncadd.s32 $0xFFFFF000  }
0x53: {  	_ =	swait.ge [sflag:s14], $0x1000  }
0x54: {  	[sflag:s14] =	ssyncset.done $0x0  }
0x55: {  	[sflag:s14] =	ssyncadd.s32 $0xFFFFF000  }
0x56: {  	_ =	swait.ge [sflag:s14], $0x1000  }
0x57: {  	[sflag:s14] =	ssyncset.done $0x0  }
0x58: {  	[sflag:s14] =	ssyncadd.s32 $0xFFFFF000  }
0x59: {  	_ =	swait.ge [sflag:s14], $0x1000  }
0x5a: {  	[sflag:s14] =	ssyncset.done $0x0  }
0x5b: {  	[sflag:s14] =	ssyncadd.s32 $0xFFFFF000  }
0x5c: {  	_ =	swait.ge [sflag:s14], $0x1000  }
0x5d: {  	[sflag:s14] =	ssyncset.done $0x0  }
0x5e: {  	[sflag:s14] =	ssyncadd.s32 $0xFFFFF000  }
0x5f: {  	_ =	swait.ge [sflag:s14], $0x1000  }
0x60: {  	[sflag:s14] =	ssyncset.done $0x0  }
0x61: {  	[sflag:s14] =	ssyncadd.s32 $0xFFFFF000  }
0x62: {  	_ =	swait.ge [sflag:s14], $0x1000  }
0x63: {  	[sflag:s14] =	ssyncset.done $0x0  }
0x64: {  	[sflag:s14] =	ssyncadd.s32 $0xFFFFF000  }
0x65: {  	_ =	swait.ge [sflag:s14], $0x1000  }
0x66: {  	[sflag:s14] =	ssyncset.done $0x0  }
0x67: {  	[sflag:s14] =	ssyncadd.s32 $0xFFFFF000  }
0x68: {  	_ =	swait.ge [sflag:s14], $0x1000  }
0x69: {  	[sflag:s14] =	ssyncset.done $0x0  }
0x6a: {  	[sflag:s14] =	ssyncadd.s32 $0xFFFFF000  }
0x6b: {  	_ =	swait.ge [sflag:s14], $0x1000  }
0x6c: {  	[sflag:s14] =	ssyncset.done $0x0  }
0x6d: {  	[sflag:s14] =	ssyncadd.s32 $0xFFFFF000  }
0x6e: {  	v32 =	vand.u32 $0x7F, v62;
	_ =	swait.ge [sflag:s14], $0x1000  }
0x6f: {  	v33 =	vor.u32 v0, v32;
	[sflag:s14] =	ssyncset.done $0x0  }
0x70: {  	[sflag:s14] =	ssyncadd.s32 $0xFFFFF000  }
0x71: {  	_ =	swait.ge [sflag:s14], $0x1000  }
0x72: {  	[sflag:s14] =	ssyncset.done $0x0  }
0x73: {  	[sflag:s14] =	ssyncadd.s32 $0xFFFFF000  }
0x74: {  	v33 =	vld.idx.msk [tilespmem:v33+s9+$0x0], $0xffff  }
0x75: {  	v34 =	vor.u32 v1, v32;
	_ =	sdelay $0x1  }
0x76: {  	s29 =	sand.u32 $0x70, s21;
	s30 =	sand.u32 $0xC00, s20  }
0x77: {  	s22 =	sor.u32 s29, s30  }
0x78: {  	[tilespmem:s22+$0x10200] =	vst v33  }
0x79: {  	v33 =	vld.idx.msk [tilespmem:v34+s9+$0x0], $0xffff  }
0x7a: {  	v63 =	vor.u32 v2, v32;
	_ =	sdelay $0x3  }
0x7b: {  	[tilespmem:s22+$0x10280] =	vst v33  }
0x7c: {  	v33 =	vld.idx.msk [tilespmem:v63+s9+$0x0], $0xffff  }
0x7d: {  	v36 =	vor.u32 v3, v32;
	_ =	sdelay $0x3  }
0x7e: {  	[tilespmem:s22+$0x10300] =	vst v33  }
0x7f: {  	v33 =	vld.idx.msk [tilespmem:v36+s9+$0x0], $0xffff  }
0x80: {  	v37 =	vor.u32 v4, v32;
	_ =	sdelay $0x3  }
0x81: {  	[tilespmem:s22+$0x10380] =	vst v33  }
0x82: {  	v33 =	vld.idx.msk [tilespmem:v37+s9+$0x0], $0xffff  }
0x83: {  	v38 =	vor.u32 v5, v32;
	_ =	sdelay $0x3  }
0x84: {  	[tilespmem:s22+$0x10400] =	vst v33  }
0x85: {  	v33 =	vld.idx.msk [tilespmem:v38+s9+$0x0], $0xffff  }
0x86: {  	v39 =	vor.u32 v6, v32;
	_ =	sdelay $0x3  }
0x87: {  	[tilespmem:s22+$0x10480] =	vst v33  }
0x88: {  	v33 =	vld.idx.msk [tilespmem:v39+s9+$0x0], $0xffff  }
0x89: {  	v40 =	vor.u32 v7, v32;
	_ =	sdelay $0x3  }
0x8a: {  	[tilespmem:s22+$0x10500] =	vst v33  }
0x8b: {  	v33 =	vld.idx.msk [tilespmem:v40+s9+$0x0], $0xffff  }
0x8c: {  	v41 =	vor.u32 v8, v32;
	_ =	sdelay $0x1  }
0x8d: {  	s31 =	sor.u32 s20, s21  }
0x8e: {  	s23 =	sor.u32 $0x380, s31  }
0x8f: {  	[tilespmem:s23+$0x10200] =	vst v33  }
0x90: {  	v33 =	vld.idx.msk [tilespmem:v41+s9+$0x0], $0xffff  }
0x91: {  	v42 =	vor.u32 v9, v32;
	_ =	sdelay $0x3  }
0x92: {  	[tilespmem:s22+$0x11200] =	vst v33  }
0x93: {  	v33 =	vld.idx.msk [tilespmem:v42+s9+$0x0], $0xffff  }
0x94: {  	v43 =	vor.u32 v10, v32;
	_ =	sdelay $0x3  }
0x95: {  	[tilespmem:s22+$0x11280] =	vst v33  }
0x96: {  	v33 =	vld.idx.msk [tilespmem:v43+s9+$0x0], $0xffff  }
0x97: {  	v44 =	vor.u32 v11, v32;
	_ =	sdelay $0x3  }
0x98: {  	[tilespmem:s22+$0x11300] =	vst v33  }
0x99: {  	v33 =	vld.idx.msk [tilespmem:v44+s9+$0x0], $0xffff  }
0x9a: {  	v45 =	vor.u32 v12, v32;
	_ =	sdelay $0x3  }
0x9b: {  	[tilespmem:s22+$0x11380] =	vst v33  }
0x9c: {  	v33 =	vld.idx.msk [tilespmem:v45+s9+$0x0], $0xffff  }
0x9d: {  	v46 =	vor.u32 v13, v32;
	_ =	sdelay $0x3  }
0x9e: {  	[tilespmem:s22+$0x11400] =	vst v33  }
0x9f: {  	v33 =	vld.idx.msk [tilespmem:v46+s9+$0x0], $0xffff  }
0xa0: {  	v47 =	vor.u32 v14, v32;
	_ =	sdelay $0x3  }
0xa1: {  	[tilespmem:s22+$0x11480] =	vst v33  }
0xa2: {  	v33 =	vld.idx.msk [tilespmem:v47+s9+$0x0], $0xffff  }
0xa3: {  	v48 =	vor.u32 v15, v32;
	_ =	sdelay $0x3  }
0xa4: {  	[tilespmem:s22+$0x11500] =	vst v33  }
0xa5: {  	v33 =	vld.idx.msk [tilespmem:v48+s9+$0x0], $0xffff  }
0xa6: {  	v49 =	vor.u32 v16, v32;
	_ =	sdelay $0x3  }
0xa7: {  	[tilespmem:s22+$0x11580] =	vst v33  }
0xa8: {  	v33 =	vld.idx.msk [tilespmem:v49+s9+$0x0], $0xffff  }
0xa9: {  	v50 =	vor.u32 v17, v32;
	_ =	sdelay $0x3  }
0xaa: {  	[tilespmem:s22+$0x12200] =	vst v33  }
0xab: {  	v33 =	vld.idx.msk [tilespmem:v50+s9+$0x0], $0xffff  }
0xac: {  	v51 =	vor.u32 v18, v32;
	_ =	sdelay $0x3  }
0xad: {  	[tilespmem:s22+$0x12280] =	vst v33  }
0xae: {  	v33 =	vld.idx.msk [tilespmem:v51+s9+$0x0], $0xffff  }
0xaf: {  	v52 =	vor.u32 v19, v32;
	_ =	sdelay $0x3  }
0xb0: {  	[tilespmem:s22+$0x12300] =	vst v33  }
0xb1: {  	v33 =	vld.idx.msk [tilespmem:v52+s9+$0x0], $0xffff  }
0xb2: {  	v53 =	vor.u32 v20, v32;
	_ =	sdelay $0x3  }
0xb3: {  	[tilespmem:s22+$0x12380] =	vst v33  }
0xb4: {  	v33 =	vld.idx.msk [tilespmem:v53+s9+$0x0], $0xffff  }
0xb5: {  	v54 =	vor.u32 v21, v32;
	_ =	sdelay $0x3  }
0xb6: {  	[tilespmem:s22+$0x12400] =	vst v33  }
0xb7: {  	v33 =	vld.idx.msk [tilespmem:v54+s9+$0x0], $0xffff  }
0xb8: {  	v55 =	vor.u32 v22, v32;
	_ =	sdelay $0x3  }
0xb9: {  	[tilespmem:s22+$0x12480] =	vst v33  }
0xba: {  	v33 =	vld.idx.msk [tilespmem:v55+s9+$0x0], $0xffff  }
0xbb: {  	v56 =	vor.u32 v23, v32;
	_ =	sdelay $0x3  }
0xbc: {  	[tilespmem:s22+$0x12500] =	vst v33  }
0xbd: {  	v33 =	vld.idx.msk [tilespmem:v56+s9+$0x0], $0xffff  }
0xbe: {  	v57 =	vor.u32 v24, v32;
	_ =	sdelay $0x3  }
0xbf: {  	[tilespmem:s22+$0x12580] =	vst v33  }
0xc0: {  	v33 =	vld.idx.msk [tilespmem:v57+s9+$0x0], $0xffff  }
0xc1: {  	v58 =	vor.u32 v25, v32;
	_ =	sdelay $0x3  }
0xc2: {  	[tilespmem:s22+$0x13200] =	vst v33  }
0xc3: {  	v33 =	vld.idx.msk [tilespmem:v58+s9+$0x0], $0xffff  }
0xc4: {  	v59 =	vor.u32 v26, v32;
	_ =	sdelay $0x3  }
0xc5: {  	[tilespmem:s22+$0x13280] =	vst v33  }
0xc6: {  	v33 =	vld.idx.msk [tilespmem:v59+s9+$0x0], $0xffff  }
0xc7: {  	v60 =	vor.u32 v27, v32;
	_ =	sdelay $0x3  }
0xc8: {  	[tilespmem:s22+$0x13300] =	vst v33  }
0xc9: {  	v33 =	vld.idx.msk [tilespmem:v60+s9+$0x0], $0xffff  }
0xca: {  	v61 =	vor.u32 v28, v32;
	_ =	sdelay $0x3  }
0xcb: {  	[tilespmem:s22+$0x13380] =	vst v33  }
0xcc: {  	v33 =	vld.idx.msk [tilespmem:v61+s9+$0x0], $0xffff  }
0xcd: {  	v62 =	vor.u32 v29, v32;
	_ =	sdelay $0x3  }
0xce: {  	[tilespmem:s22+$0x13400] =	vst v33  }
0xcf: {  	v33 =	vld.idx.msk [tilespmem:v62+s9+$0x0], $0xffff  }
0xd0: {  	v63 =	vor.u32 v30, v32;
	_ =	sdelay $0x3  }
0xd1: {  	[tilespmem:s22+$0x13480] =	vst v33  }
0xd2: {  	v33 =	vld.idx.msk [tilespmem:v63+s9+$0x0], $0xffff  }
0xd3: {  	v32 =	vor.u32 v31, v32;
	_ =	sdelay $0x3  }
0xd4: {  	[tilespmem:s22+$0x13500] =	vst v33  }
0xd5: {  	p0 =	sne.s32 s21, $0x1F0;
	v32 =	vld.idx.msk [tilespmem:v32+s9+$0x0], $0xffff  }
.Ltmp0:
0xd6: {  	_ = 	snop;
	(pc) =	sbr.rel @p0 .LBB2_2-.Ltmp0, $2  }
0xd7: {  	_ =	sdelay $0x2  }
0xd8: {  	s20 =	sadd.s32 $0x80, s20;
	s21 =	sadd.s32 $0x10, s21;
	s19 =	sadd.s32 $0x10, s19;
	[tilespmem:s22+$0x13580] =	vst v32  }
0xd9: {  	s18 =	sadd.s32 $0x1, s18  }
0xda: {  	p0 =	sne.s32 s18, s5  }
.Ltmp1:
0xdb: {  	_ = 	snop;
	(pc) =	sbr.rel @p0 .LBB2_1-.Ltmp1, $4  }
0xdc: {  	[hbm4b:s4+s15] =	stream.strided.scatter [tilespmem:s17], [sflag:$0x2], $0x4000, s16, s15, $0x38;
	[tilespmem:$0x14200] =	vst v63  }
0xdd: {  	_ =	swait.ge [sflag:s6], $0x4000  }
0xde: {  	[sflag:s6] =	ssyncset.done $0x0  }
0xdf: {  	[sflag:s6] =	ssyncadd.s32 $0xFFFFC000  }
0xe0: {  	_ =	sfence.sel $0x180000  }
0xe1: {  	[bflag:$0x0] =	sbarrier.arrive $0xFFFF  }
0xe2: {  	p0 =	sne.s32 s2, $0x0;
	_ =	strace $0x90000047  }
0xe3: {  	s0 =	sadd.s32 @!p0 $0x100000, s0;
	[bflag:$0x2] =	sbarrier.arrive $0xFFFF  }
0xe4: {  	[sflag:s0] =	ssyncadd.tile.s32 @!p0 $0x1;
	_ =	shalt  }
.Lfunc_end2:
_tile_overlayer_lowered:
.L_overlay_start_2:
0xe5: {  	(tag) =	ssettag $0x2  }
0xe6: {  	s0 =	rddreg [dreg:$0x0];
	s2 =	stileid.u32  }
0xe7: {  	s1 =	rddreg [dreg:$0x1];
	p0 =	sne.s32 s2, $0x0  }
0xe8: {  	s3 =	rddreg [dreg:$0x2];
	[bflag:$0x3] =	sbarrier.arrive $0xFFFF;
	s2 =	simm.s32 @!p0 $0x1C02  }
0xe9: {  	[timem:s3], [sflag:s2] =	dma.local @!p0 [hbm:s0], s1  }
0xea: {  	s0 =	simm.s32 @!p0 $0x2  }
0xeb: {  	_ =	swait.ge @!p0 [sflag:s0], s1  }
0xec: {  	s1 =	ssub.s32 @!p0 $0x0, s1;
	[sflag:s0] =	ssyncset.done @!p0 $0x0  }
0xed: {  	[sflag:s0] =	ssyncadd.s32 @!p0 s1  }
0xee: {  	[bflag:$0x3] =	sbarrier.arrive $0xFFFF  }
0xef: {  	_ =	shalt  }

</sc_bundles>
